<compile_context>
chip_gen: v7x
topology: tpu7x:2x2x1
jax: 0.10.2.dev20260603
libtpu: 0.0.44.dev20260713+nightly
codegen_flags: <defaults>
</compile_context>

<pallas_src>
import functools
import jax
import jax.numpy as jnp
from jax import lax
from jax.experimental import pallas as pl
from jax.experimental.pallas import tpu as pltpu, tpu_sc as plsc

GRID = 0.0078125
SCALE_MULT = 0.05
N = 8192
P = 1024
C = 18

NC = 2
NS = 16
NW = NC * NS
NCELL = 512
CPW = NCELL // NW
CAP = 64
LSTR = 80
PCAP = 384
HITCAP = 320

_mesh = plsc.VectorSubcoreMesh(core_axis_name="c", subcore_axis_name="s")


def _sload(ref, i):
    return ref[pl.ds(i, 16)][0]


def _sstore(ref, i, val, dtype):
    lane0 = lax.iota(jnp.int32, 16) == 0
    plsc.store_scatter(ref, [jnp.full((16,), i, jnp.int32)],
                       jnp.full((16,), val, dtype), mask=lane0)


@functools.partial(
    pl.kernel,
    out_type=jax.ShapeDtypeStruct((N * 32,), jnp.float32),
    mesh=_mesh,
    compiler_params=pltpu.CompilerParams(needs_layout_passes=False),
    scratch_types=[
        pltpu.VMEM((10 * P,), jnp.float32),
        pltpu.VMEM((4 * P + 16,), jnp.int32),
        pltpu.VMEM((P * 16,), jnp.float32),
        pltpu.VMEM((P * 8 + 16,), jnp.float32),
        pltpu.VMEM((2 * P,), jnp.int32),
        pltpu.VMEM((8 * P,), jnp.int32),
        pltpu.VMEM((P + 16,), jnp.int32),
        pltpu.VMEM((2048,), jnp.int32),
        pltpu.VMEM((3 * N + 16,), jnp.float32),
        pltpu.VMEM((CPW * LSTR,), jnp.int32),
        pltpu.VMEM((CPW + 16,), jnp.int32),
        pltpu.VMEM((PCAP + 32,), jnp.int32),
        pltpu.VMEM((PCAP + 32,), jnp.int32),
        pltpu.VMEM((PCAP * 32 + 32,), jnp.float32),
        pltpu.VMEM((HITCAP + 32,), jnp.float32),
        pltpu.VMEM((HITCAP + 32,), jnp.int32),
        pltpu.VMEM((HITCAP + 32,), jnp.int32),
        pltpu.SemaphoreType.DMA,
    ],
)
def _sc_agg(gf_hbm, gi_hbm, semA_hbm, semB_hbm, ptf_hbm, pc_hbm, out_hbm,
            gf_v, gi_v, semA_v, semB_v, ym_v, zm_v, xl_v, cidc_v, pw_v,
            ll_v, lc_v, pidf_v, pcidf_v, stag_v, hw_v, hg_v, hil_v, dsem):
    cidx = lax.axis_index("c")
    sidx = lax.axis_index("s")
    wid = sidx * NC + cidx
    mycx = wid // 4
    cy0 = (wid * 2) % 8

    pltpu.sync_copy(gf_hbm, gf_v)
    pltpu.sync_copy(gi_hbm, gi_v.at[pl.ds(0, 4 * P)])
    pltpu.sync_copy(semA_hbm, semA_v)
    pltpu.sync_copy(semB_hbm, semB_v.at[pl.ds(0, P * 8)])
    pltpu.sync_copy(ptf_hbm, pw_v.at[pl.ds(0, 3 * N)])

    def _xscan(j, off):
        mix = gi_v[pl.ds(j * 16, 16)]
        rr = gi_v[pl.ds(3 * P + j * 16, 16)]
        m = ((lax.shift_right_arithmetic(mix - rr, 4) <= mycx)
             & (mycx <= lax.shift_right_arithmetic(mix + rr, 4)))
        ids = lax.iota(jnp.int32, 16) + j * 16
        mi = m.astype(jnp.int32)
        pos = plsc.cumsum(mi) - mi + off
        plsc.store_scatter(xl_v, [pos], ids, mask=m)
        return jnp.minimum(off + jnp.sum(mi), P)
    xcnt = lax.fori_loop(0, P // 16, _xscan, jnp.int32(0))

    def _yz(j, _):
        miy = gi_v[pl.ds(P + j * 16, 16)]
        miz = gi_v[pl.ds(2 * P + j * 16, 16)]
        rr = gi_v[pl.ds(3 * P + j * 16, 16)]
        ylo = lax.shift_right_arithmetic(miy - rr, 4)
        yhi = lax.shift_right_arithmetic(miy + rr, 4)
        ym_v[pl.ds(j * 16, 16)] = ((ylo <= cy0) & (cy0 <= yhi)).astype(jnp.int32)
        ym_v[pl.ds(P + j * 16, 16)] = (
            (ylo <= cy0 + 1) & (cy0 + 1 <= yhi)).astype(jnp.int32)
        zlo = lax.shift_right_arithmetic(miz - rr, 4)
        zhi = lax.shift_right_arithmetic(miz + rr, 4)
        for q in range(8):
            zm_v[pl.ds(q * P + j * 16, 16)] = (
                (zlo <= q) & (q <= zhi)).astype(jnp.int32)
        return _
    lax.fori_loop(0, P // 16, _yz, 0)

    nxv = (xcnt + 15) // 16

    def _cell_body(k, _):
        yrow = (k // 8) * P
        zrow = (k - (k // 8) * 8) * P

        def _j(j, off):
            gid = xl_v[pl.ds(j * 16, 16)]
            lane_ok = (lax.iota(jnp.int32, 16) + j * 16) < xcnt
            gid = jnp.where(lane_ok, gid, 0)
            ym = plsc.load_gather(ym_v, [gid + yrow])
            zm = plsc.load_gather(zm_v, [gid + zrow])
            m = lane_ok & ((ym & zm) == 1)
            mi = m.astype(jnp.int32)
            pos = plsc.cumsum(mi) - mi + (k * LSTR + off)
            plsc.store_scatter(ll_v, [pos], gid, mask=m)
            return jnp.minimum(off + jnp.sum(mi), CAP)
        cnt = lax.fori_loop(0, nxv, _j, jnp.int32(0))
        _sstore(lc_v, k, cnt, jnp.int32)
        return _
    lax.fori_loop(0, CPW, _cell_body, 0)

    npts = jnp.int32(0)
    for b in range(N // 2048):
        pltpu.sync_copy(pc_hbm.at[pl.ds(b * 2048, 2048)], cidc_v)

        def _pt_scan(v, np_, _b=b):
            cv = cidc_v[pl.ds(v * 16, 16)]
            m = (cv >> 4) == wid
            ids = lax.iota(jnp.int32, 16) + (_b * 2048 + v * 16)
            mi = m.astype(jnp.int32)
            pos = plsc.cumsum(mi) - mi + np_
            plsc.store_scatter(pidf_v, [pos], ids, mask=m)
            plsc.store_scatter(pcidf_v, [pos], cv, mask=m)
            return jnp.minimum(np_ + jnp.sum(mi), PCAP)
        npts = lax.fori_loop(0, 2048 // 16, _pt_scan, npts)

    def _pt_body(i, hoff):
        pid = _sload(pidf_v, i)
        pcid = _sload(pcidf_v, i)
        k = pcid - wid * CPW
        cnt = _sload(lc_v, k)
        inv_g = 1.0 / GRID
        def _flr(x):
            yi = x.astype(jnp.int32)
            return yi - (yi.astype(jnp.float32) > x).astype(jnp.int32)
        pix = _flr(_sload(pw_v, pid) * inv_g)
        piy = _flr(_sload(pw_v, N + pid) * inv_g)
        piz = _flr(_sload(pw_v, 2 * N + pid) * inv_g)
        stag_v[pl.ds(i * 32, 16)] = jnp.zeros((16,), jnp.float32)
        stag_v[pl.ds(i * 32 + 16, 16)] = jnp.zeros((16,), jnp.float32)
        nj = (cnt + 15) // 16

        def _j(j, hoff):
            idx = ll_v[pl.ds(k * LSTR + j * 16, 16)]
            valid = (lax.iota(jnp.int32, 16) + j * 16) < cnt
            gidx = jnp.where(valid, idx, 0)
            mix = plsc.load_gather(gi_v, [gidx])
            miy = plsc.load_gather(gi_v, [gidx + P])
            miz = plsc.load_gather(gi_v, [gidx + 2 * P])
            rr = plsc.load_gather(gi_v, [gidx + 3 * P])
            mask = (valid
                    & (jnp.abs(pix - mix) <= rr)
                    & (jnp.abs(piy - miy) <= rr)
                    & (jnp.abs(piz - miz) <= rr))
            mi = mask.astype(jnp.int32)
            pos = plsc.cumsum(mi) - mi + hoff
            plsc.store_scatter(hg_v, [pos], gidx, mask=mask)
            plsc.store_scatter(hil_v, [pos],
                               jnp.full((16,), i, jnp.int32), mask=mask)
            return jnp.minimum(hoff + jnp.sum(mi), HITCAP)
        return lax.fori_loop(0, nj, _j, hoff)
    nhits = lax.fori_loop(0, npts, _pt_body, jnp.int32(0))

    nhv = (nhits + 15) // 16

    def _ev(hv, _):
        lane_ok = (lax.iota(jnp.int32, 16) + hv * 16) < nhits
        gidx = jnp.where(lane_ok, hg_v[pl.ds(hv * 16, 16)], 0)
        il = jnp.where(lane_ok, hil_v[pl.ds(hv * 16, 16)], 0)
        pidv = plsc.load_gather(pidf_v, [il])
        px = plsc.load_gather(pw_v, [pidv])
        py = plsc.load_gather(pw_v, [pidv + N])
        pz = plsc.load_gather(pw_v, [pidv + 2 * N])
        mux = plsc.load_gather(gf_v, [gidx])
        muy = plsc.load_gather(gf_v, [gidx + P])
        muz = plsc.load_gather(gf_v, [gidx + 2 * P])
        c0 = plsc.load_gather(gf_v, [gidx + 3 * P])
        c1 = plsc.load_gather(gf_v, [gidx + 4 * P])
        c2 = plsc.load_gather(gf_v, [gidx + 5 * P])
        c3 = plsc.load_gather(gf_v, [gidx + 6 * P])
        c4 = plsc.load_gather(gf_v, [gidx + 7 * P])
        c5 = plsc.load_gather(gf_v, [gidx + 8 * P])
        opg = plsc.load_gather(gf_v, [gidx + 9 * P])
        dx = px - mux
        dy = py - muy
        dz = pz - muz
        power = (-0.5 * (c0 * dx * dx + c1 * dy * dy + c2 * dz * dz)
                 - c3 * dx * dy - c4 * dy * dz - c5 * dx * dz)
        hw_v[pl.ds(hv * 16, 16)] = opg * jnp.exp(power)
        return _
    lax.fori_loop(0, nhv, _ev, 0)

    lo8 = lax.iota(jnp.int32, 16) < 8

    def _hit(h, _):
        wv = _sload(hw_v, h)
        g = _sload(hg_v, h)
        il = _sload(hil_v, h)
        a0 = stag_v[pl.ds(il * 32, 16)]
        stag_v[pl.ds(il * 32, 16)] = a0 + wv * semA_v[pl.ds(g * 16, 16)]
        a1 = stag_v[pl.ds(il * 32 + 16, 16)]
        sb = jnp.where(lo8, semB_v[pl.ds(g * 8, 16)], 0.0)
        stag_v[pl.ds(il * 32 + 16, 16)] = a1 + wv * sb
        return _
    lax.fori_loop(0, nhits, _hit, 0)

    def _out(i, _):
        pid = _sload(pidf_v, i)
        pltpu.async_copy(stag_v.at[pl.ds(i * 32, 32)],
                         out_hbm.at[pl.ds(pid * 32, 32)], dsem)
        return _
    lax.fori_loop(0, npts, _out, 0)

    def _drain(i, _):
        pltpu.make_async_copy(stag_v.at[pl.ds(0, 32)],
                              out_hbm.at[pl.ds(0, 32)], dsem).wait()
        return _
    lax.fori_loop(0, npts, _drain, 0)


def kernel(pts, means3D, opacities, semantics, scales, cov3D, metas, origin_use):
    p = pts[0]
    mu = means3D[0]
    op = opacities[0]
    sem = semantics[0]
    sc = scales[0]
    cov = cov3D[0]

    inv_g = 1.0 / GRID
    pint = jnp.floor((p - origin_use) * inv_g).astype(jnp.int32)
    mint = jnp.floor((mu - origin_use) * inv_g).astype(jnp.int32)
    radii = jnp.ceil(jnp.max(sc, axis=-1) * (SCALE_MULT * inv_g)).astype(jnp.int32)

    pcell = ((pint[:, 0] >> 4) * 64 + (pint[:, 1] >> 4) * 8 + (pint[:, 2] >> 4))

    cov6 = cov.reshape(P, 9)[:, jnp.array([0, 4, 8, 1, 5, 2])]
    gf = jnp.concatenate([(mu - origin_use).T, cov6.T, op[None, :]],
                         axis=0).reshape(-1)
    gi = jnp.concatenate([mint.T, radii[None, :]], axis=0).reshape(-1)
    semA = sem[:, :16].reshape(-1)
    semB = jnp.pad(sem[:, 16:], ((0, 0), (0, 6))).reshape(-1)
    ptf = (p - origin_use).T.reshape(-1)

    out = _sc_agg(gf, gi, semA, semB, ptf, pcell)
    return out.reshape(N, 32)[:, :C]

# --- scband reference (transcript-rebuilt; emitter-appended) ---
"""Pipeline reference for scband-local-aggregator-64587718197537 (READ-ONLY COPY).

The authoritative reference and input builder live on the scoring server;
editing this copy changes nothing except your own understanding.
"""

import jax, jax.numpy as jnp
import numpy as np

H = 128
W = 128
D = 128
GRID = 0.0078125
SCALE_MULT = 0.05
N = 8192
P = 1024
C = 18


def setup_inputs(seed: int = 0) -> dict:
    key = jax.random.key(seed)
    ks = jax.random.split(key, 6)
    pts = jax.random.uniform(ks[0], (1, N, 3), dtype=jnp.float32)
    means3D = jax.random.uniform(ks[1], (1, P, 3), dtype=jnp.float32)
    opacities = jax.random.uniform(ks[2], (1, P), dtype=jnp.float32)
    semantics = jax.random.uniform(ks[3], (1, P, C), dtype=jnp.float32)
    scales = jax.random.uniform(ks[4], (1, P, 3), dtype=jnp.float32)
    cov3D = jax.random.uniform(ks[5], (1, P, 3, 3), dtype=jnp.float32)
    metas = jnp.zeros((1,), dtype=jnp.int32)
    origin_use = jnp.zeros((3,), dtype=jnp.float32)
    return {"pts": pts, "means3D": means3D, "opacities": opacities,
            "semantics": semantics, "scales": scales, "cov3D": cov3D,
            "metas": metas, "origin_use": origin_use}


def reference(pts, means3D, opacities, semantics, scales, cov3D, metas, origin_use):
    # squeeze batch dim (module asserts batch == 1)
    p = pts[0]            # [N, 3]
    mu = means3D[0]       # [P, 3]
    op = opacities[0]     # [P]
    sem = semantics[0]    # [P, C]
    sc = scales[0]        # [P, 3]
    cov = cov3D[0]        # [P, 3, 3]

    # integer voxel coords (values are non-negative so floor == trunc-to-int)
    points_int = jnp.floor((p - origin_use) / GRID).astype(jnp.int32)    # [N, 3]
    means3D_int = jnp.floor((mu - origin_use) / GRID).astype(jnp.int32)  # [P, 3]

    # per-gaussian integer radius in voxel units
    radii = jnp.ceil(jnp.max(sc, axis=-1) * SCALE_MULT / GRID).astype(jnp.int32)  # [P]

    # packed symmetric covariance terms: [xx, yy, zz, xy, yz, xz]
    cov6 = cov.reshape(P, 9)[:, jnp.array([0, 4, 8, 1, 5, 2])]  # [P, 6]

    # pairwise world-space deltas, one [N, P] plane per axis
    dx = p[:, None, 0] - mu[None, :, 0]
    dy = p[:, None, 1] - mu[None, :, 1]
    dz = p[:, None, 2] - mu[None, :, 2]

    # gaussian exponent (quadratic form with packed symmetric matrix)
    power = (-0.5 * (cov6[None, :, 0] * dx * dx
                     + cov6[None, :, 1] * dy * dy
                     + cov6[None, :, 2] * dz * dz)
             - cov6[None, :, 3] * dx * dy
             - cov6[None, :, 4] * dy * dz
             - cov6[None, :, 5] * dx * dz)  # [N, P]

    # locality mask: gaussian influences voxels within chebyshev radius in grid coords
    ax = jnp.abs(points_int[:, None, 0] - means3D_int[None, :, 0])
    ay = jnp.abs(points_int[:, None, 1] - means3D_int[None, :, 1])
    az = jnp.abs(points_int[:, None, 2] - means3D_int[None, :, 2])
    within = (ax <= radii[None, :]) & (ay <= radii[None, :]) & (az <= radii[None, :])  # [N, P]

    w = jnp.where(within, op[None, :] * jnp.exp(power), 0.0)  # [N, P]
    logits = w @ sem  # [N, C]
    return logits

if __name__ == "__main__":
    import jax
    _d = setup_inputs()
    print(jax.jit(kernel)(*tuple(_d.values())))

</pallas_src>

<mosaic_0001>
#map = affine_map<(d0, d1) -> (0)>
module attributes {stable_mosaic.version = 14 : i64} {
  func.func @_sc_agg(%arg0: i32, %arg1: i32, %arg2: memref<10240xf32, #tpu.memory_space<hbm>>, %arg3: memref<4096xi32, #tpu.memory_space<hbm>>, %arg4: memref<16384xf32, #tpu.memory_space<hbm>>, %arg5: memref<8192xf32, #tpu.memory_space<hbm>>, %arg6: memref<24576xf32, #tpu.memory_space<hbm>>, %arg7: memref<8192xi32, #tpu.memory_space<hbm>>, %arg8: memref<262144xf32, #tpu.memory_space<hbm>>, %arg9: memref<10240xf32, #tpu.memory_space<vmem>>, %arg10: memref<4112xi32, #tpu.memory_space<vmem>>, %arg11: memref<16384xf32, #tpu.memory_space<vmem>>, %arg12: memref<8208xf32, #tpu.memory_space<vmem>>, %arg13: memref<2048xi32, #tpu.memory_space<vmem>>, %arg14: memref<8192xi32, #tpu.memory_space<vmem>>, %arg15: memref<1040xi32, #tpu.memory_space<vmem>>, %arg16: memref<2048xi32, #tpu.memory_space<vmem>>, %arg17: memref<24592xf32, #tpu.memory_space<vmem>>, %arg18: memref<1280xi32, #tpu.memory_space<vmem>>, %arg19: memref<32xi32, #tpu.memory_space<vmem>>, %arg20: memref<416xi32, #tpu.memory_space<vmem>>, %arg21: memref<416xi32, #tpu.memory_space<vmem>>, %arg22: memref<12320xf32, #tpu.memory_space<vmem>>, %arg23: memref<352xf32, #tpu.memory_space<vmem>>, %arg24: memref<352xi32, #tpu.memory_space<vmem>>, %arg25: memref<352xi32, #tpu.memory_space<vmem>>, %arg26: memref<!tpu.dma_semaphore, #tpu.memory_space<semaphore_mem>>) attributes {dimension_semantics = [#tpu.dimension_semantics<core_parallel>, #tpu.dimension_semantics<subcore_parallel>], iteration_bounds = array<i64: 2, 16>, scalar_prefetch = 0 : i64, scratch_operands = 18 : i64, tpu.core_type = #tpu.core_type<sc_vector_subcore>, window_params = [{transform_indices = #map}, {transform_indices = #map}, {transform_indices = #map}, {transform_indices = #map}, {transform_indices = #map}, {transform_indices = #map}, {transform_indices = #map}]} {
    %mul3A = arith.constant 2 : i32
    %mul3A_0 = arith.muli %arg1, %mul3A : i32
    %add3A = arith.addi %mul3A_0, %arg0 : i32
    %jit3A = arith.constant 4 : i32
    %div3A = arith.divsi %add3A, %jit3A : i32
    %sign3A = arith.constant 0 : i32
    %sign3A_1 = arith.cmpi sgt, %add3A, %sign3A : i32
    %sign3A_2 = arith.extui %sign3A_1 : i1 to i32
    %sign3A_3 = arith.constant 0 : i32
    %sign3A_4 = arith.cmpi slt, %add3A, %sign3A_3 : i32
    %sign3A_5 = arith.extui %sign3A_4 : i1 to i32
    %sign3A_6 = arith.subi %sign3A_2, %sign3A_5 : i32
    %sign3A_7 = arith.constant 0 : i32
    %sign3A_8 = arith.cmpi sgt, %jit3A, %sign3A_7 : i32
    %sign3A_9 = arith.extui %sign3A_8 : i1 to i32
    %sign3A_10 = arith.constant 0 : i32
    %sign3A_11 = arith.cmpi slt, %jit3A, %sign3A_10 : i32
    %sign3A_12 = arith.extui %sign3A_11 : i1 to i32
    %sign3A_13 = arith.subi %sign3A_9, %sign3A_12 : i32
    %ne3A = arith.cmpi ne, %sign3A_6, %sign3A_13 : i32
    %rem3A = arith.remsi %add3A, %jit3A : i32
    %ne3A_14 = arith.constant 0 : i32
    %ne3A_15 = arith.cmpi ne, %rem3A, %ne3A_14 : i32
    %and3A = arith.andi %ne3A, %ne3A_15 : i1
    %sub3A = arith.constant 1 : i32
    %sub3A_16 = arith.subi %div3A, %sub3A : i32
    %select_n3A = arith.select %and3A, %sub3A_16, %div3A : i32
    %mul3A_17 = arith.constant 2 : i32
    %mul3A_18 = arith.muli %add3A, %mul3A_17 : i32
    %jit3A_19 = arith.constant 8 : i32
    %eq3A = arith.constant 0 : i32
    %eq3A_20 = arith.cmpi eq, %jit3A_19, %eq3A : i32
    %jit3A_21 = arith.constant 1 : i32
    %select_n3A_22 = arith.select %eq3A_20, %jit3A_21, %jit3A_19 : i32
    %rem3A_23 = arith.remsi %mul3A_18, %select_n3A_22 : i32
    %ne3A_24 = arith.constant 0 : i32
    %ne3A_25 = arith.cmpi ne, %rem3A_23, %ne3A_24 : i32
    %lt3A = arith.constant 0 : i32
    %lt3A_26 = arith.cmpi slt, %rem3A_23, %lt3A : i32
    %lt3A_27 = arith.constant 0 : i32
    %lt3A_28 = arith.cmpi slt, %select_n3A_22, %lt3A_27 : i32
    %ne3A_29 = arith.xori %lt3A_26, %lt3A_28 : i1
    %and3A_30 = arith.andi %ne3A_29, %ne3A_25 : i1
    %add3A_31 = arith.addi %rem3A_23, %select_n3A_22 : i32
    %select_n3A_32 = arith.select %and3A_30, %add3A_31, %rem3A_23 : i32
    "tpu.region"() ({
      %run_scoped3A = tpu.sem_alloc : memref<!tpu.dma_semaphore, #tpu.memory_space<semaphore_mem>>
      tpu.enqueue_dma source(%arg2 : memref<10240xf32, #tpu.memory_space<hbm>>) target(%arg9 : memref<10240xf32, #tpu.memory_space<vmem>>) target_semaphore(%run_scoped3A : memref<!tpu.dma_semaphore, #tpu.memory_space<semaphore_mem>>)
      tpu.wait_dma2 semaphore(%run_scoped3A : memref<!tpu.dma_semaphore, #tpu.memory_space<semaphore_mem>>) src(%arg2 : memref<10240xf32, #tpu.memory_space<hbm>>) dst(%arg9 : memref<10240xf32, #tpu.memory_space<vmem>>)
      tpu.yield
    }) : () -> ()
    "tpu.region"() ({
      %run_scoped3A = tpu.sem_alloc : memref<!tpu.dma_semaphore, #tpu.memory_space<semaphore_mem>>
      %dma_start3A = arith.constant 0 : i32
      %dma_start3A_182 = tpu.memref_slice %arg10[%dma_start3A] : memref<4112xi32, #tpu.memory_space<vmem>> -> memref<4096xi32, #tpu.memory_space<vmem>>
      %dma_start3A_183 = arith.constant 0 : i32
      %dma_start3A_184 = tpu.memref_slice %arg10[%dma_start3A_183] : memref<4112xi32, #tpu.memory_space<vmem>> -> memref<4096xi32, #tpu.memory_space<vmem>>
      tpu.enqueue_dma source(%arg3 : memref<4096xi32, #tpu.memory_space<hbm>>) target(%dma_start3A_184 : memref<4096xi32, #tpu.memory_space<vmem>>) target_semaphore(%run_scoped3A : memref<!tpu.dma_semaphore, #tpu.memory_space<semaphore_mem>>)
      %dma_wait3A = arith.constant 0 : i32
      %dma_wait3A_185 = tpu.memref_slice %arg10[%dma_wait3A] : memref<4112xi32, #tpu.memory_space<vmem>> -> memref<4096xi32, #tpu.memory_space<vmem>>
      %dma_wait3A_186 = arith.constant 0 : i32
      %dma_wait3A_187 = tpu.memref_slice %arg10[%dma_wait3A_186] : memref<4112xi32, #tpu.memory_space<vmem>> -> memref<4096xi32, #tpu.memory_space<vmem>>
      tpu.wait_dma2 semaphore(%run_scoped3A : memref<!tpu.dma_semaphore, #tpu.memory_space<semaphore_mem>>) src(%arg3 : memref<4096xi32, #tpu.memory_space<hbm>>) dst(%dma_wait3A_187 : memref<4096xi32, #tpu.memory_space<vmem>>)
      tpu.yield
    }) : () -> ()
    "tpu.region"() ({
      %run_scoped3A = tpu.sem_alloc : memref<!tpu.dma_semaphore, #tpu.memory_space<semaphore_mem>>
      tpu.enqueue_dma source(%arg4 : memref<16384xf32, #tpu.memory_space<hbm>>) target(%arg11 : memref<16384xf32, #tpu.memory_space<vmem>>) target_semaphore(%run_scoped3A : memref<!tpu.dma_semaphore, #tpu.memory_space<semaphore_mem>>)
      tpu.wait_dma2 semaphore(%run_scoped3A : memref<!tpu.dma_semaphore, #tpu.memory_space<semaphore_mem>>) src(%arg4 : memref<16384xf32, #tpu.memory_space<hbm>>) dst(%arg11 : memref<16384xf32, #tpu.memory_space<vmem>>)
      tpu.yield
    }) : () -> ()
    "tpu.region"() ({
      %run_scoped3A = tpu.sem_alloc : memref<!tpu.dma_semaphore, #tpu.memory_space<semaphore_mem>>
      %dma_start3A = arith.constant 0 : i32
      %dma_start3A_182 = tpu.memref_slice %arg12[%dma_start3A] : memref<8208xf32, #tpu.memory_space<vmem>> -> memref<8192xf32, #tpu.memory_space<vmem>>
      %dma_start3A_183 = arith.constant 0 : i32
      %dma_start3A_184 = tpu.memref_slice %arg12[%dma_start3A_183] : memref<8208xf32, #tpu.memory_space<vmem>> -> memref<8192xf32, #tpu.memory_space<vmem>>
      tpu.enqueue_dma source(%arg5 : memref<8192xf32, #tpu.memory_space<hbm>>) target(%dma_start3A_184 : memref<8192xf32, #tpu.memory_space<vmem>>) target_semaphore(%run_scoped3A : memref<!tpu.dma_semaphore, #tpu.memory_space<semaphore_mem>>)
      %dma_wait3A = arith.constant 0 : i32
      %dma_wait3A_185 = tpu.memref_slice %arg12[%dma_wait3A] : memref<8208xf32, #tpu.memory_space<vmem>> -> memref<8192xf32, #tpu.memory_space<vmem>>
      %dma_wait3A_186 = arith.constant 0 : i32
      %dma_wait3A_187 = tpu.memref_slice %arg12[%dma_wait3A_186] : memref<8208xf32, #tpu.memory_space<vmem>> -> memref<8192xf32, #tpu.memory_space<vmem>>
      tpu.wait_dma2 semaphore(%run_scoped3A : memref<!tpu.dma_semaphore, #tpu.memory_space<semaphore_mem>>) src(%arg5 : memref<8192xf32, #tpu.memory_space<hbm>>) dst(%dma_wait3A_187 : memref<8192xf32, #tpu.memory_space<vmem>>)
      tpu.yield
    }) : () -> ()
    "tpu.region"() ({
      %run_scoped3A = tpu.sem_alloc : memref<!tpu.dma_semaphore, #tpu.memory_space<semaphore_mem>>
      %dma_start3A = arith.constant 0 : i32
      %dma_start3A_182 = tpu.memref_slice %arg17[%dma_start3A] : memref<24592xf32, #tpu.memory_space<vmem>> -> memref<24576xf32, #tpu.memory_space<vmem>>
      %dma_start3A_183 = arith.constant 0 : i32
      %dma_start3A_184 = tpu.memref_slice %arg17[%dma_start3A_183] : memref<24592xf32, #tpu.memory_space<vmem>> -> memref<24576xf32, #tpu.memory_space<vmem>>
      tpu.enqueue_dma source(%arg6 : memref<24576xf32, #tpu.memory_space<hbm>>) target(%dma_start3A_184 : memref<24576xf32, #tpu.memory_space<vmem>>) target_semaphore(%run_scoped3A : memref<!tpu.dma_semaphore, #tpu.memory_space<semaphore_mem>>)
      %dma_wait3A = arith.constant 0 : i32
      %dma_wait3A_185 = tpu.memref_slice %arg17[%dma_wait3A] : memref<24592xf32, #tpu.memory_space<vmem>> -> memref<24576xf32, #tpu.memory_space<vmem>>
      %dma_wait3A_186 = arith.constant 0 : i32
      %dma_wait3A_187 = tpu.memref_slice %arg17[%dma_wait3A_186] : memref<24592xf32, #tpu.memory_space<vmem>> -> memref<24576xf32, #tpu.memory_space<vmem>>
      tpu.wait_dma2 semaphore(%run_scoped3A : memref<!tpu.dma_semaphore, #tpu.memory_space<semaphore_mem>>) src(%arg6 : memref<24576xf32, #tpu.memory_space<hbm>>) dst(%dma_wait3A_187 : memref<24576xf32, #tpu.memory_space<vmem>>)
      tpu.yield
    }) : () -> ()
    %scan3A = arith.constant 0 : i32
    %scan3A_33 = arith.constant 0 : i32
    %scan3A_34 = arith.constant 64 : i32
    %scan3A_35 = arith.addi %scan3A_33, %scan3A_34 : i32
    %scan3A_36 = arith.constant 1 : i32
    %scan3A_37 = scf.for %scan3A_182 = %scan3A_33 to %scan3A_35 step %scan3A_36 iter_args(%scan3A_183 = %scan3A) -> (i32)  : i32 {
      %mul3A_184 = arith.constant 16 : i32
      %mul3A_185 = arith.muli %scan3A_182, %mul3A_184 : i32
      %get3A = arith.index_cast %mul3A_185 : i32 to index
      %get3A_186 = tpu.vector_load %arg10[%get3A] {strides = array<i32>} : memref<4112xi32, #tpu.memory_space<vmem>>, vector<16xi32>,
      %mul3A_187 = arith.constant 16 : i32
      %mul3A_188 = arith.muli %scan3A_182, %mul3A_187 : i32
      %add3A_189 = arith.constant 3072 : i32
      %add3A_190 = arith.addi %add3A_189, %mul3A_188 : i32
      %get3A_191 = arith.index_cast %add3A_190 : i32 to index
      %get3A_192 = tpu.vector_load %arg10[%get3A_191] {strides = array<i32>} : memref<4112xi32, #tpu.memory_space<vmem>>, vector<16xi32>,
      %sub3A_193 = arith.subi %get3A_186, %get3A_192 : vector<16xi32>
      %shift_right_arithmetic3A = arith.constant 4 : i32
      %shift_right_arithmetic3A_194 = vector.broadcast %shift_right_arithmetic3A : i32 to vector<16xi32>
      %shift_right_arithmetic3A_195 = arith.shrsi %sub3A_193, %shift_right_arithmetic3A_194 : vector<16xi32>
      %le3A = vector.broadcast %select_n3A : i32 to vector<16xi32>
      %le3A_196 = arith.cmpi sle, %shift_right_arithmetic3A_195, %le3A : vector<16xi32>
      %add3A_197 = arith.addi %get3A_186, %get3A_192 : vector<16xi32>
      %shift_right_arithmetic3A_198 = arith.constant 4 : i32
      %shift_right_arithmetic3A_199 = vector.broadcast %shift_right_arithmetic3A_198 : i32 to vector<16xi32>
      %shift_right_arithmetic3A_200 = arith.shrsi %add3A_197, %shift_right_arithmetic3A_199 : vector<16xi32>
      %le3A_201 = vector.broadcast %select_n3A : i32 to vector<16xi32>
      %le3A_202 = arith.cmpi sle, %le3A_201, %shift_right_arithmetic3A_200 : vector<16xi32>
      %and3A_203 = arith.andi %le3A_196, %le3A_202 : vector<16xi1>
      %iota3A_204 = tpu.iota {dimensions = array<i32: 0>} : vector<16xi32>
      %mul3A_205 = arith.constant 16 : i32
      %mul3A_206 = arith.muli %scan3A_182, %mul3A_205 : i32
      %add3A_207 = vector.broadcast %mul3A_206 : i32 to vector<16xi32>
      %add3A_208 = arith.addi %iota3A_204, %add3A_207 : vector<16xi32>
      %convert_element_type3A = arith.extui %and3A_203 : vector<16xi1> to vector<16xi32>
      %broadcast_in_dim3A = arith.constant true
      %broadcast_in_dim3A_209 = vector.broadcast %broadcast_in_dim3A : i1 to vector<16xi1>
      %masked_cumsum3A = tpu.scan <sum>, %convert_element_type3A masked %broadcast_in_dim3A_209 : vector<16xi32>, vector<16xi1> -> vector<16xi32>
      %sub3A_210 = arith.subi %masked_cumsum3A, %convert_element_type3A : vector<16xi32>
      %add3A_211 = vector.broadcast %scan3A_183 : i32 to vector<16xi32>
      %add3A_212 = arith.addi %sub3A_210, %add3A_211 : vector<16xi32>
      tpu.vector_store_idx %arg15[%add3A_212], %add3A_208 masked %and3A_203 : memref<1040xi32, #tpu.memory_space<vmem>>[vector<16xi32>], vector<16xi32>, vector<16xi1>
      %reduce_sum3A = arith.constant true
      %reduce_sum3A_213 = vector.broadcast %reduce_sum3A : i1 to vector<16xi1>
      %reduce_sum3A_214 = tpu.scan <sum>, %convert_element_type3A masked %reduce_sum3A_213 : vector<16xi32>, vector<16xi1> -> vector<16xi32>
      %reduce_sum3A_215 = vector.extract %reduce_sum3A_214[15] : i32 from vector<16xi32>
      %add3A_216 = arith.addi %scan3A_183, %reduce_sum3A_215 : i32
      %min3A = arith.constant 1024 : i32
      %min3A_217 = arith.minsi %add3A_216, %min3A : i32
      scf.yield %min3A_217 : i32
    }
    %scan3A_38 = arith.constant 64 : i32
    %scan3A_39 = arith.constant 0 : i32
    %scan3A_40 = arith.constant 0 : i32
    %scan3A_41 = arith.constant 64 : i32
    %scan3A_42 = arith.addi %scan3A_40, %scan3A_41 : i32
    %scan3A_43 = arith.constant 1 : i32
    scf.for %scan3A_182 = %scan3A_40 to %scan3A_42 step %scan3A_43  : i32 {
      %mul3A_183 = arith.constant 16 : i32
      %mul3A_184 = arith.muli %scan3A_182, %mul3A_183 : i32
      %add3A_185 = arith.constant 1024 : i32
      %add3A_186 = arith.addi %add3A_185, %mul3A_184 : i32
      %get3A = arith.index_cast %add3A_186 : i32 to index
      %get3A_187 = tpu.vector_load %arg10[%get3A] {strides = array<i32>} : memref<4112xi32, #tpu.memory_space<vmem>>, vector<16xi32>,
      %mul3A_188 = arith.constant 16 : i32
      %mul3A_189 = arith.muli %scan3A_182, %mul3A_188 : i32
      %add3A_190 = arith.constant 2048 : i32
      %add3A_191 = arith.addi %add3A_190, %mul3A_189 : i32
      %get3A_192 = arith.index_cast %add3A_191 : i32 to index
      %get3A_193 = tpu.vector_load %arg10[%get3A_192] {strides = array<i32>} : memref<4112xi32, #tpu.memory_space<vmem>>, vector<16xi32>,
      %mul3A_194 = arith.constant 16 : i32
      %mul3A_195 = arith.muli %scan3A_182, %mul3A_194 : i32
      %add3A_196 = arith.constant 3072 : i32
      %add3A_197 = arith.addi %add3A_196, %mul3A_195 : i32
      %get3A_198 = arith.index_cast %add3A_197 : i32 to index
      %get3A_199 = tpu.vector_load %arg10[%get3A_198] {strides = array<i32>} : memref<4112xi32, #tpu.memory_space<vmem>>, vector<16xi32>,
      %sub3A_200 = arith.subi %get3A_187, %get3A_199 : vector<16xi32>
      %shift_right_arithmetic3A = arith.constant 4 : i32
      %shift_right_arithmetic3A_201 = vector.broadcast %shift_right_arithmetic3A : i32 to vector<16xi32>
      %shift_right_arithmetic3A_202 = arith.shrsi %sub3A_200, %shift_right_arithmetic3A_201 : vector<16xi32>
      %add3A_203 = arith.addi %get3A_187, %get3A_199 : vector<16xi32>
      %shift_right_arithmetic3A_204 = arith.constant 4 : i32
      %shift_right_arithmetic3A_205 = vector.broadcast %shift_right_arithmetic3A_204 : i32 to vector<16xi32>
      %shift_right_arithmetic3A_206 = arith.shrsi %add3A_203, %shift_right_arithmetic3A_205 : vector<16xi32>
      %le3A = vector.broadcast %select_n3A_32 : i32 to vector<16xi32>
      %le3A_207 = arith.cmpi sle, %shift_right_arithmetic3A_202, %le3A : vector<16xi32>
      %le3A_208 = vector.broadcast %select_n3A_32 : i32 to vector<16xi32>
      %le3A_209 = arith.cmpi sle, %le3A_208, %shift_right_arithmetic3A_206 : vector<16xi32>
      %and3A_210 = arith.andi %le3A_207, %le3A_209 : vector<16xi1>
      %convert_element_type3A = arith.extui %and3A_210 : vector<16xi1> to vector<16xi32>
      %mul3A_211 = arith.constant 16 : i32
      %mul3A_212 = arith.muli %scan3A_182, %mul3A_211 : i32
      %swap3A = arith.index_cast %mul3A_212 : i32 to index
      %swap3A_213 = tpu.vector_load %arg13[%swap3A] {strides = array<i32>} : memref<2048xi32, #tpu.memory_space<vmem>>, vector<16xi32>,
      tpu.vector_store %arg13[%swap3A], %convert_element_type3A {strides = array<i32>} : memref<2048xi32, #tpu.memory_space<vmem>>, vector<16xi32>,
      %add3A_214 = arith.constant 1 : i32
      %add3A_215 = arith.addi %select_n3A_32, %add3A_214 : i32
      %le3A_216 = vector.broadcast %add3A_215 : i32 to vector<16xi32>
      %le3A_217 = arith.cmpi sle, %shift_right_arithmetic3A_202, %le3A_216 : vector<16xi32>
      %add3A_218 = arith.constant 1 : i32
      %add3A_219 = arith.addi %select_n3A_32, %add3A_218 : i32
      %le3A_220 = vector.broadcast %add3A_219 : i32 to vector<16xi32>
      %le3A_221 = arith.cmpi sle, %le3A_220, %shift_right_arithmetic3A_206 : vector<16xi32>
      %and3A_222 = arith.andi %le3A_217, %le3A_221 : vector<16xi1>
      %convert_element_type3A_223 = arith.extui %and3A_222 : vector<16xi1> to vector<16xi32>
      %mul3A_224 = arith.constant 16 : i32
      %mul3A_225 = arith.muli %scan3A_182, %mul3A_224 : i32
      %add3A_226 = arith.constant 1024 : i32
      %add3A_227 = arith.addi %add3A_226, %mul3A_225 : i32
      %swap3A_228 = arith.index_cast %add3A_227 : i32 to index
      %swap3A_229 = tpu.vector_load %arg13[%swap3A_228] {strides = array<i32>} : memref<2048xi32, #tpu.memory_space<vmem>>, vector<16xi32>,
      tpu.vector_store %arg13[%swap3A_228], %convert_element_type3A_223 {strides = array<i32>} : memref<2048xi32, #tpu.memory_space<vmem>>, vector<16xi32>,
      %sub3A_230 = arith.subi %get3A_193, %get3A_199 : vector<16xi32>
      %shift_right_arithmetic3A_231 = arith.constant 4 : i32
      %shift_right_arithmetic3A_232 = vector.broadcast %shift_right_arithmetic3A_231 : i32 to vector<16xi32>
      %shift_right_arithmetic3A_233 = arith.shrsi %sub3A_230, %shift_right_arithmetic3A_232 : vector<16xi32>
      %add3A_234 = arith.addi %get3A_193, %get3A_199 : vector<16xi32>
      %shift_right_arithmetic3A_235 = arith.constant 4 : i32
      %shift_right_arithmetic3A_236 = vector.broadcast %shift_right_arithmetic3A_235 : i32 to vector<16xi32>
      %shift_right_arithmetic3A_237 = arith.shrsi %add3A_234, %shift_right_arithmetic3A_236 : vector<16xi32>
      %le3A_238 = arith.constant 0 : i32
      %le3A_239 = vector.broadcast %le3A_238 : i32 to vector<16xi32>
      %le3A_240 = arith.cmpi sle, %shift_right_arithmetic3A_233, %le3A_239 : vector<16xi32>
      %ge3A = arith.constant 0 : i32
      %ge3A_241 = vector.broadcast %ge3A : i32 to vector<16xi32>
      %ge3A_242 = arith.cmpi sge, %shift_right_arithmetic3A_237, %ge3A_241 : vector<16xi32>
      %and3A_243 = arith.andi %le3A_240, %ge3A_242 : vector<16xi1>
      %convert_element_type3A_244 = arith.extui %and3A_243 : vector<16xi1> to vector<16xi32>
      %mul3A_245 = arith.constant 16 : i32
      %mul3A_246 = arith.muli %scan3A_182, %mul3A_245 : i32
      %add3A_247 = arith.constant 0 : i32
      %add3A_248 = arith.addi %add3A_247, %mul3A_246 : i32
      %swap3A_249 = arith.index_cast %add3A_248 : i32 to index
      %swap3A_250 = tpu.vector_load %arg14[%swap3A_249] {strides = array<i32>} : memref<8192xi32, #tpu.memory_space<vmem>>, vector<16xi32>,
      tpu.vector_store %arg14[%swap3A_249], %convert_element_type3A_244 {strides = array<i32>} : memref<8192xi32, #tpu.memory_space<vmem>>, vector<16xi32>,
      %le3A_251 = arith.constant 1 : i32
      %le3A_252 = vector.broadcast %le3A_251 : i32 to vector<16xi32>
      %le3A_253 = arith.cmpi sle, %shift_right_arithmetic3A_233, %le3A_252 : vector<16xi32>
      %ge3A_254 = arith.constant 1 : i32
      %ge3A_255 = vector.broadcast %ge3A_254 : i32 to vector<16xi32>
      %ge3A_256 = arith.cmpi sge, %shift_right_arithmetic3A_237, %ge3A_255 : vector<16xi32>
      %and3A_257 = arith.andi %le3A_253, %ge3A_256 : vector<16xi1>
      %convert_element_type3A_258 = arith.extui %and3A_257 : vector<16xi1> to vector<16xi32>
      %mul3A_259 = arith.constant 16 : i32
      %mul3A_260 = arith.muli %scan3A_182, %mul3A_259 : i32
      %add3A_261 = arith.constant 1024 : i32
      %add3A_262 = arith.addi %add3A_261, %mul3A_260 : i32
      %swap3A_263 = arith.index_cast %add3A_262 : i32 to index
      %swap3A_264 = tpu.vector_load %arg14[%swap3A_263] {strides = array<i32>} : memref<8192xi32, #tpu.memory_space<vmem>>, vector<16xi32>,
      tpu.vector_store %arg14[%swap3A_263], %convert_element_type3A_258 {strides = array<i32>} : memref<8192xi32, #tpu.memory_space<vmem>>, vector<16xi32>,
      %le3A_265 = arith.constant 2 : i32
      %le3A_266 = vector.broadcast %le3A_265 : i32 to vector<16xi32>
      %le3A_267 = arith.cmpi sle, %shift_right_arithmetic3A_233, %le3A_266 : vector<16xi32>
      %ge3A_268 = arith.constant 2 : i32
      %ge3A_269 = vector.broadcast %ge3A_268 : i32 to vector<16xi32>
      %ge3A_270 = arith.cmpi sge, %shift_right_arithmetic3A_237, %ge3A_269 : vector<16xi32>
      %and3A_271 = arith.andi %le3A_267, %ge3A_270 : vector<16xi1>
      %convert_element_type3A_272 = arith.extui %and3A_271 : vector<16xi1> to vector<16xi32>
      %mul3A_273 = arith.constant 16 : i32
      %mul3A_274 = arith.muli %scan3A_182, %mul3A_273 : i32
      %add3A_275 = arith.constant 2048 : i32
      %add3A_276 = arith.addi %add3A_275, %mul3A_274 : i32
      %swap3A_277 = arith.index_cast %add3A_276 : i32 to index
      %swap3A_278 = tpu.vector_load %arg14[%swap3A_277] {strides = array<i32>} : memref<8192xi32, #tpu.memory_space<vmem>>, vector<16xi32>,
      tpu.vector_store %arg14[%swap3A_277], %convert_element_type3A_272 {strides = array<i32>} : memref<8192xi32, #tpu.memory_space<vmem>>, vector<16xi32>,
      %le3A_279 = arith.constant 3 : i32
      %le3A_280 = vector.broadcast %le3A_279 : i32 to vector<16xi32>
      %le3A_281 = arith.cmpi sle, %shift_right_arithmetic3A_233, %le3A_280 : vector<16xi32>
      %ge3A_282 = arith.constant 3 : i32
      %ge3A_283 = vector.broadcast %ge3A_282 : i32 to vector<16xi32>
      %ge3A_284 = arith.cmpi sge, %shift_right_arithmetic3A_237, %ge3A_283 : vector<16xi32>
      %and3A_285 = arith.andi %le3A_281, %ge3A_284 : vector<16xi1>
      %convert_element_type3A_286 = arith.extui %and3A_285 : vector<16xi1> to vector<16xi32>
      %mul3A_287 = arith.constant 16 : i32
      %mul3A_288 = arith.muli %scan3A_182, %mul3A_287 : i32
      %add3A_289 = arith.constant 3072 : i32
      %add3A_290 = arith.addi %add3A_289, %mul3A_288 : i32
      %swap3A_291 = arith.index_cast %add3A_290 : i32 to index
      %swap3A_292 = tpu.vector_load %arg14[%swap3A_291] {strides = array<i32>} : memref<8192xi32, #tpu.memory_space<vmem>>, vector<16xi32>,
      tpu.vector_store %arg14[%swap3A_291], %convert_element_type3A_286 {strides = array<i32>} : memref<8192xi32, #tpu.memory_space<vmem>>, vector<16xi32>,
      %le3A_293 = arith.constant 4 : i32
      %le3A_294 = vector.broadcast %le3A_293 : i32 to vector<16xi32>
      %le3A_295 = arith.cmpi sle, %shift_right_arithmetic3A_233, %le3A_294 : vector<16xi32>
      %ge3A_296 = arith.constant 4 : i32
      %ge3A_297 = vector.broadcast %ge3A_296 : i32 to vector<16xi32>
      %ge3A_298 = arith.cmpi sge, %shift_right_arithmetic3A_237, %ge3A_297 : vector<16xi32>
      %and3A_299 = arith.andi %le3A_295, %ge3A_298 : vector<16xi1>
      %convert_element_type3A_300 = arith.extui %and3A_299 : vector<16xi1> to vector<16xi32>
      %mul3A_301 = arith.constant 16 : i32
      %mul3A_302 = arith.muli %scan3A_182, %mul3A_301 : i32
      %add3A_303 = arith.constant 4096 : i32
      %add3A_304 = arith.addi %add3A_303, %mul3A_302 : i32
      %swap3A_305 = arith.index_cast %add3A_304 : i32 to index
      %swap3A_306 = tpu.vector_load %arg14[%swap3A_305] {strides = array<i32>} : memref<8192xi32, #tpu.memory_space<vmem>>, vector<16xi32>,
      tpu.vector_store %arg14[%swap3A_305], %convert_element_type3A_300 {strides = array<i32>} : memref<8192xi32, #tpu.memory_space<vmem>>, vector<16xi32>,
      %le3A_307 = arith.constant 5 : i32
      %le3A_308 = vector.broadcast %le3A_307 : i32 to vector<16xi32>
      %le3A_309 = arith.cmpi sle, %shift_right_arithmetic3A_233, %le3A_308 : vector<16xi32>
      %ge3A_310 = arith.constant 5 : i32
      %ge3A_311 = vector.broadcast %ge3A_310 : i32 to vector<16xi32>
      %ge3A_312 = arith.cmpi sge, %shift_right_arithmetic3A_237, %ge3A_311 : vector<16xi32>
      %and3A_313 = arith.andi %le3A_309, %ge3A_312 : vector<16xi1>
      %convert_element_type3A_314 = arith.extui %and3A_313 : vector<16xi1> to vector<16xi32>
      %mul3A_315 = arith.constant 16 : i32
      %mul3A_316 = arith.muli %scan3A_182, %mul3A_315 : i32
      %add3A_317 = arith.constant 5120 : i32
      %add3A_318 = arith.addi %add3A_317, %mul3A_316 : i32
      %swap3A_319 = arith.index_cast %add3A_318 : i32 to index
      %swap3A_320 = tpu.vector_load %arg14[%swap3A_319] {strides = array<i32>} : memref<8192xi32, #tpu.memory_space<vmem>>, vector<16xi32>,
      tpu.vector_store %arg14[%swap3A_319], %convert_element_type3A_314 {strides = array<i32>} : memref<8192xi32, #tpu.memory_space<vmem>>, vector<16xi32>,
      %le3A_321 = arith.constant 6 : i32
      %le3A_322 = vector.broadcast %le3A_321 : i32 to vector<16xi32>
      %le3A_323 = arith.cmpi sle, %shift_right_arithmetic3A_233, %le3A_322 : vector<16xi32>
      %ge3A_324 = arith.constant 6 : i32
      %ge3A_325 = vector.broadcast %ge3A_324 : i32 to vector<16xi32>
      %ge3A_326 = arith.cmpi sge, %shift_right_arithmetic3A_237, %ge3A_325 : vector<16xi32>
      %and3A_327 = arith.andi %le3A_323, %ge3A_326 : vector<16xi1>
      %convert_element_type3A_328 = arith.extui %and3A_327 : vector<16xi1> to vector<16xi32>
      %mul3A_329 = arith.constant 16 : i32
      %mul3A_330 = arith.muli %scan3A_182, %mul3A_329 : i32
      %add3A_331 = arith.constant 6144 : i32
      %add3A_332 = arith.addi %add3A_331, %mul3A_330 : i32
      %swap3A_333 = arith.index_cast %add3A_332 : i32 to index
      %swap3A_334 = tpu.vector_load %arg14[%swap3A_333] {strides = array<i32>} : memref<8192xi32, #tpu.memory_space<vmem>>, vector<16xi32>,
      tpu.vector_store %arg14[%swap3A_333], %convert_element_type3A_328 {strides = array<i32>} : memref<8192xi32, #tpu.memory_space<vmem>>, vector<16xi32>,
      %le3A_335 = arith.constant 7 : i32
      %le3A_336 = vector.broadcast %le3A_335 : i32 to vector<16xi32>
      %le3A_337 = arith.cmpi sle, %shift_right_arithmetic3A_233, %le3A_336 : vector<16xi32>
      %ge3A_338 = arith.constant 7 : i32
      %ge3A_339 = vector.broadcast %ge3A_338 : i32 to vector<16xi32>
      %ge3A_340 = arith.cmpi sge, %shift_right_arithmetic3A_237, %ge3A_339 : vector<16xi32>
      %and3A_341 = arith.andi %le3A_337, %ge3A_340 : vector<16xi1>
      %convert_element_type3A_342 = arith.extui %and3A_341 : vector<16xi1> to vector<16xi32>
      %mul3A_343 = arith.constant 16 : i32
      %mul3A_344 = arith.muli %scan3A_182, %mul3A_343 : i32
      %add3A_345 = arith.constant 7168 : i32
      %add3A_346 = arith.addi %add3A_345, %mul3A_344 : i32
      %swap3A_347 = arith.index_cast %add3A_346 : i32 to index
      %swap3A_348 = tpu.vector_load %arg14[%swap3A_347] {strides = array<i32>} : memref<8192xi32, #tpu.memory_space<vmem>>, vector<16xi32>,
      tpu.vector_store %arg14[%swap3A_347], %convert_element_type3A_342 {strides = array<i32>} : memref<8192xi32, #tpu.memory_space<vmem>>, vector<16xi32>,
    }
    %scan3A_44 = arith.constant 64 : i32
    %add3A_45 = arith.constant 15 : i32
    %add3A_46 = arith.addi %scan3A_37, %add3A_45 : i32
    %jit3A_47 = arith.constant 16 : i32
    %div3A_48 = arith.divsi %add3A_46, %jit3A_47 : i32
    %sign3A_49 = arith.constant 0 : i32
    %sign3A_50 = arith.cmpi sgt, %add3A_46, %sign3A_49 : i32
    %sign3A_51 = arith.extui %sign3A_50 : i1 to i32
    %sign3A_52 = arith.constant 0 : i32
    %sign3A_53 = arith.cmpi slt, %add3A_46, %sign3A_52 : i32
    %sign3A_54 = arith.extui %sign3A_53 : i1 to i32
    %sign3A_55 = arith.subi %sign3A_51, %sign3A_54 : i32
    %sign3A_56 = arith.constant 0 : i32
    %sign3A_57 = arith.cmpi sgt, %jit3A_47, %sign3A_56 : i32
    %sign3A_58 = arith.extui %sign3A_57 : i1 to i32
    %sign3A_59 = arith.constant 0 : i32
    %sign3A_60 = arith.cmpi slt, %jit3A_47, %sign3A_59 : i32
    %sign3A_61 = arith.extui %sign3A_60 : i1 to i32
    %sign3A_62 = arith.subi %sign3A_58, %sign3A_61 : i32
    %ne3A_63 = arith.cmpi ne, %sign3A_55, %sign3A_62 : i32
    %rem3A_64 = arith.remsi %add3A_46, %jit3A_47 : i32
    %ne3A_65 = arith.constant 0 : i32
    %ne3A_66 = arith.cmpi ne, %rem3A_64, %ne3A_65 : i32
    %and3A_67 = arith.andi %ne3A_63, %ne3A_66 : i1
    %sub3A_68 = arith.constant 1 : i32
    %sub3A_69 = arith.subi %div3A_48, %sub3A_68 : i32
    %select_n3A_70 = arith.select %and3A_67, %sub3A_69, %div3A_48 : i32
    %scan3A_71 = arith.constant 0 : i32
    %scan3A_72 = arith.constant 0 : i32
    %scan3A_73 = arith.constant 16 : i32
    %scan3A_74 = arith.addi %scan3A_72, %scan3A_73 : i32
    %scan3A_75 = arith.constant 1 : i32
    scf.for %scan3A_182 = %scan3A_72 to %scan3A_74 step %scan3A_75  : i32 {
      %jit3A_183 = arith.constant 8 : i32
      %div3A_184 = arith.divsi %scan3A_182, %jit3A_183 : i32
      %sign3A_185 = arith.constant 0 : i32
      %sign3A_186 = arith.cmpi sgt, %scan3A_182, %sign3A_185 : i32
      %sign3A_187 = arith.extui %sign3A_186 : i1 to i32
      %sign3A_188 = arith.constant 0 : i32
      %sign3A_189 = arith.cmpi slt, %scan3A_182, %sign3A_188 : i32
      %sign3A_190 = arith.extui %sign3A_189 : i1 to i32
      %sign3A_191 = arith.subi %sign3A_187, %sign3A_190 : i32
      %sign3A_192 = arith.constant 0 : i32
      %sign3A_193 = arith.cmpi sgt, %jit3A_183, %sign3A_192 : i32
      %sign3A_194 = arith.extui %sign3A_193 : i1 to i32
      %sign3A_195 = arith.constant 0 : i32
      %sign3A_196 = arith.cmpi slt, %jit3A_183, %sign3A_195 : i32
      %sign3A_197 = arith.extui %sign3A_196 : i1 to i32
      %sign3A_198 = arith.subi %sign3A_194, %sign3A_197 : i32
      %ne3A_199 = arith.cmpi ne, %sign3A_191, %sign3A_198 : i32
      %rem3A_200 = arith.remsi %scan3A_182, %jit3A_183 : i32
      %ne3A_201 = arith.constant 0 : i32
      %ne3A_202 = arith.cmpi ne, %rem3A_200, %ne3A_201 : i32
      %and3A_203 = arith.andi %ne3A_199, %ne3A_202 : i1
      %sub3A_204 = arith.constant 1 : i32
      %sub3A_205 = arith.subi %div3A_184, %sub3A_204 : i32
      %select_n3A_206 = arith.select %and3A_203, %sub3A_205, %div3A_184 : i32
      %mul3A_207 = arith.constant 1024 : i32
      %mul3A_208 = arith.muli %select_n3A_206, %mul3A_207 : i32
      %jit3A_209 = arith.constant 8 : i32
      %div3A_210 = arith.divsi %scan3A_182, %jit3A_209 : i32
      %sign3A_211 = arith.constant 0 : i32
      %sign3A_212 = arith.cmpi sgt, %scan3A_182, %sign3A_211 : i32
      %sign3A_213 = arith.extui %sign3A_212 : i1 to i32
      %sign3A_214 = arith.constant 0 : i32
      %sign3A_215 = arith.cmpi slt, %scan3A_182, %sign3A_214 : i32
      %sign3A_216 = arith.extui %sign3A_215 : i1 to i32
      %sign3A_217 = arith.subi %sign3A_213, %sign3A_216 : i32
      %sign3A_218 = arith.constant 0 : i32
      %sign3A_219 = arith.cmpi sgt, %jit3A_209, %sign3A_218 : i32
      %sign3A_220 = arith.extui %sign3A_219 : i1 to i32
      %sign3A_221 = arith.constant 0 : i32
      %sign3A_222 = arith.cmpi slt, %jit3A_209, %sign3A_221 : i32
      %sign3A_223 = arith.extui %sign3A_222 : i1 to i32
      %sign3A_224 = arith.subi %sign3A_220, %sign3A_223 : i32
      %ne3A_225 = arith.cmpi ne, %sign3A_217, %sign3A_224 : i32
      %rem3A_226 = arith.remsi %scan3A_182, %jit3A_209 : i32
      %ne3A_227 = arith.constant 0 : i32
      %ne3A_228 = arith.cmpi ne, %rem3A_226, %ne3A_227 : i32
      %and3A_229 = arith.andi %ne3A_225, %ne3A_228 : i1
      %sub3A_230 = arith.constant 1 : i32
      %sub3A_231 = arith.subi %div3A_210, %sub3A_230 : i32
      %select_n3A_232 = arith.select %and3A_229, %sub3A_231, %div3A_210 : i32
      %mul3A_233 = arith.constant 8 : i32
      %mul3A_234 = arith.muli %select_n3A_232, %mul3A_233 : i32
      %sub3A_235 = arith.subi %scan3A_182, %mul3A_234 : i32
      %mul3A_236 = arith.constant 1024 : i32
      %mul3A_237 = arith.muli %sub3A_235, %mul3A_236 : i32
      %while3A_238 = arith.constant 0 : i32
      %while3A_239 = arith.constant 0 : i32
      %while3A_240 = arith.subi %select_n3A_70, %while3A_238 : i32
      %while3A_241 = arith.addi %while3A_238, %while3A_240 : i32
      %while3A_242 = arith.constant 1 : i32
      %while3A_243 = arith.divsi %while3A_240, %while3A_242 : i32
      %while3A_244 = arith.muli %while3A_243, %while3A_242 : i32
      %while3A_245 = arith.addi %while3A_238, %while3A_244 : i32
      %while3A_246 = arith.constant 1 : i32
      %while3A_247 = scf.for %while3A_255 = %while3A_238 to %while3A_245 step %while3A_246 iter_args(%while3A_256 = %while3A_239) -> (i32)  : i32 {
        %mul3A_257 = arith.constant 16 : i32
        %mul3A_258 = arith.muli %while3A_255, %mul3A_257 : i32
        %get3A = arith.index_cast %mul3A_258 : i32 to index
        %get3A_259 = tpu.vector_load %arg15[%get3A] {strides = array<i32>} : memref<1040xi32, #tpu.memory_space<vmem>>, vector<16xi32>,
        %iota3A_260 = tpu.iota {dimensions = array<i32: 0>} : vector<16xi32>
        %mul3A_261 = arith.constant 16 : i32
        %mul3A_262 = arith.muli %while3A_255, %mul3A_261 : i32
        %add3A_263 = vector.broadcast %mul3A_262 : i32 to vector<16xi32>
        %add3A_264 = arith.addi %iota3A_260, %add3A_263 : vector<16xi32>
        %lt3A_265 = vector.broadcast %scan3A_37 : i32 to vector<16xi32>
        %lt3A_266 = arith.cmpi slt, %add3A_264, %lt3A_265 : vector<16xi32>
        %jit3A_267 = arith.constant 0 : i32
        %broadcast_in_dim3A_268 = vector.broadcast %jit3A_267 : i32 to vector<16xi32>
        %select_n3A_269 = arith.select %lt3A_266, %get3A_259, %broadcast_in_dim3A_268 : vector<16xi1>, vector<16xi32>
        %add3A_270 = vector.broadcast %mul3A_208 : i32 to vector<16xi32>
        %add3A_271 = arith.addi %select_n3A_269, %add3A_270 : vector<16xi32>
        %gather3A = tpu.vector_load_idx %arg13[%add3A_271] : memref<2048xi32, #tpu.memory_space<vmem>>[vector<16xi32>], vector<16xi32>,
        %add3A_272 = vector.broadcast %mul3A_237 : i32 to vector<16xi32>
        %add3A_273 = arith.addi %select_n3A_269, %add3A_272 : vector<16xi32>
        %gather3A_274 = tpu.vector_load_idx %arg14[%add3A_273] : memref<8192xi32, #tpu.memory_space<vmem>>[vector<16xi32>], vector<16xi32>,
        %and3A_275 = arith.andi %gather3A, %gather3A_274 : vector<16xi32>
        %eq3A_276 = arith.constant 1 : i32
        %eq3A_277 = vector.broadcast %eq3A_276 : i32 to vector<16xi32>
        %eq3A_278 = arith.cmpi eq, %and3A_275, %eq3A_277 : vector<16xi32>
        %and3A_279 = arith.andi %lt3A_266, %eq3A_278 : vector<16xi1>
        %convert_element_type3A = arith.extui %and3A_279 : vector<16xi1> to vector<16xi32>
        %broadcast_in_dim3A_280 = arith.constant true
        %broadcast_in_dim3A_281 = vector.broadcast %broadcast_in_dim3A_280 : i1 to vector<16xi1>
        %masked_cumsum3A = tpu.scan <sum>, %convert_element_type3A masked %broadcast_in_dim3A_281 : vector<16xi32>, vector<16xi1> -> vector<16xi32>
        %sub3A_282 = arith.subi %masked_cumsum3A, %convert_element_type3A : vector<16xi32>
        %mul3A_283 = arith.constant 80 : i32
        %mul3A_284 = arith.muli %scan3A_182, %mul3A_283 : i32
        %add3A_285 = arith.addi %mul3A_284, %while3A_256 : i32
        %add3A_286 = vector.broadcast %add3A_285 : i32 to vector<16xi32>
        %add3A_287 = arith.addi %sub3A_282, %add3A_286 : vector<16xi32>
        tpu.vector_store_idx %arg18[%add3A_287], %select_n3A_269 masked %and3A_279 : memref<1280xi32, #tpu.memory_space<vmem>>[vector<16xi32>], vector<16xi32>, vector<16xi1>
        %reduce_sum3A = arith.constant true
        %reduce_sum3A_288 = vector.broadcast %reduce_sum3A : i1 to vector<16xi1>
        %reduce_sum3A_289 = tpu.scan <sum>, %convert_element_type3A masked %reduce_sum3A_288 : vector<16xi32>, vector<16xi1> -> vector<16xi32>
        %reduce_sum3A_290 = vector.extract %reduce_sum3A_289[15] : i32 from vector<16xi32>
        %add3A_291 = arith.addi %while3A_256, %reduce_sum3A_290 : i32
        %min3A = arith.constant 64 : i32
        %min3A_292 = arith.minsi %add3A_291, %min3A : i32
        scf.yield %min3A_292 : i32
      }
      %while3A_248 = arith.constant 1 : i32
      %while3A_249 = scf.for %while3A_255 = %while3A_245 to %while3A_241 step %while3A_248 iter_args(%while3A_256 = %while3A_247) -> (i32)  : i32 {
        %mul3A_257 = arith.constant 16 : i32
        %mul3A_258 = arith.muli %while3A_255, %mul3A_257 : i32
        %get3A = arith.index_cast %mul3A_258 : i32 to index
        %get3A_259 = tpu.vector_load %arg15[%get3A] {strides = array<i32>} : memref<1040xi32, #tpu.memory_space<vmem>>, vector<16xi32>,
        %iota3A_260 = tpu.iota {dimensions = array<i32: 0>} : vector<16xi32>
        %mul3A_261 = arith.constant 16 : i32
        %mul3A_262 = arith.muli %while3A_255, %mul3A_261 : i32
        %add3A_263 = vector.broadcast %mul3A_262 : i32 to vector<16xi32>
        %add3A_264 = arith.addi %iota3A_260, %add3A_263 : vector<16xi32>
        %lt3A_265 = vector.broadcast %scan3A_37 : i32 to vector<16xi32>
        %lt3A_266 = arith.cmpi slt, %add3A_264, %lt3A_265 : vector<16xi32>
        %jit3A_267 = arith.constant 0 : i32
        %broadcast_in_dim3A_268 = vector.broadcast %jit3A_267 : i32 to vector<16xi32>
        %select_n3A_269 = arith.select %lt3A_266, %get3A_259, %broadcast_in_dim3A_268 : vector<16xi1>, vector<16xi32>
        %add3A_270 = vector.broadcast %mul3A_208 : i32 to vector<16xi32>
        %add3A_271 = arith.addi %select_n3A_269, %add3A_270 : vector<16xi32>
        %gather3A = tpu.vector_load_idx %arg13[%add3A_271] : memref<2048xi32, #tpu.memory_space<vmem>>[vector<16xi32>], vector<16xi32>,
        %add3A_272 = vector.broadcast %mul3A_237 : i32 to vector<16xi32>
        %add3A_273 = arith.addi %select_n3A_269, %add3A_272 : vector<16xi32>
        %gather3A_274 = tpu.vector_load_idx %arg14[%add3A_273] : memref<8192xi32, #tpu.memory_space<vmem>>[vector<16xi32>], vector<16xi32>,
        %and3A_275 = arith.andi %gather3A, %gather3A_274 : vector<16xi32>
        %eq3A_276 = arith.constant 1 : i32
        %eq3A_277 = vector.broadcast %eq3A_276 : i32 to vector<16xi32>
        %eq3A_278 = arith.cmpi eq, %and3A_275, %eq3A_277 : vector<16xi32>
        %and3A_279 = arith.andi %lt3A_266, %eq3A_278 : vector<16xi1>
        %convert_element_type3A = arith.extui %and3A_279 : vector<16xi1> to vector<16xi32>
        %broadcast_in_dim3A_280 = arith.constant true
        %broadcast_in_dim3A_281 = vector.broadcast %broadcast_in_dim3A_280 : i1 to vector<16xi1>
        %masked_cumsum3A = tpu.scan <sum>, %convert_element_type3A masked %broadcast_in_dim3A_281 : vector<16xi32>, vector<16xi1> -> vector<16xi32>
        %sub3A_282 = arith.subi %masked_cumsum3A, %convert_element_type3A : vector<16xi32>
        %mul3A_283 = arith.constant 80 : i32
        %mul3A_284 = arith.muli %scan3A_182, %mul3A_283 : i32
        %add3A_285 = arith.addi %mul3A_284, %while3A_256 : i32
        %add3A_286 = vector.broadcast %add3A_285 : i32 to vector<16xi32>
        %add3A_287 = arith.addi %sub3A_282, %add3A_286 : vector<16xi32>
        tpu.vector_store_idx %arg18[%add3A_287], %select_n3A_269 masked %and3A_279 : memref<1280xi32, #tpu.memory_space<vmem>>[vector<16xi32>], vector<16xi32>, vector<16xi1>
        %reduce_sum3A = arith.constant true
        %reduce_sum3A_288 = vector.broadcast %reduce_sum3A : i1 to vector<16xi1>
        %reduce_sum3A_289 = tpu.scan <sum>, %convert_element_type3A masked %reduce_sum3A_288 : vector<16xi32>, vector<16xi1> -> vector<16xi32>
        %reduce_sum3A_290 = vector.extract %reduce_sum3A_289[15] : i32 from vector<16xi32>
        %add3A_291 = arith.addi %while3A_256, %reduce_sum3A_290 : i32
        %min3A = arith.constant 64 : i32
        %min3A_292 = arith.minsi %add3A_291, %min3A : i32
        scf.yield %min3A_292 : i32
      }
      %iota3A_250 = tpu.iota {dimensions = array<i32: 0>} : vector<16xi32>
      %eq3A_251 = arith.constant 0 : i32
      %eq3A_252 = vector.broadcast %eq3A_251 : i32 to vector<16xi32>
      %eq3A_253 = arith.cmpi eq, %iota3A_250, %eq3A_252 : vector<16xi32>
      %broadcast_in_dim3A = vector.broadcast %scan3A_182 : i32 to vector<16xi32>
      %broadcast_in_dim3A_254 = vector.broadcast %while3A_249 : i32 to vector<16xi32>
      tpu.vector_store_idx %arg19[%broadcast_in_dim3A], %broadcast_in_dim3A_254 masked %eq3A_253 : memref<32xi32, #tpu.memory_space<vmem>>[vector<16xi32>], vector<16xi32>, vector<16xi1>
    }
    %scan3A_76 = arith.constant 16 : i32
    "tpu.region"() ({
      %run_scoped3A = tpu.sem_alloc : memref<!tpu.dma_semaphore, #tpu.memory_space<semaphore_mem>>
      %dma_start3A = arith.constant 0 : i32
      %dma_start3A_182 = tpu.memref_slice %arg7[%dma_start3A] : memref<8192xi32, #tpu.memory_space<hbm>> -> memref<2048xi32, #tpu.memory_space<hbm>>
      %dma_start3A_183 = arith.constant 0 : i32
      %dma_start3A_184 = tpu.memref_slice %arg7[%dma_start3A_183] : memref<8192xi32, #tpu.memory_space<hbm>> -> memref<2048xi32, #tpu.memory_space<hbm>>
      tpu.enqueue_dma source(%dma_start3A_184 : memref<2048xi32, #tpu.memory_space<hbm>>) target(%arg16 : memref<2048xi32, #tpu.memory_space<vmem>>) target_semaphore(%run_scoped3A : memref<!tpu.dma_semaphore, #tpu.memory_space<semaphore_mem>>)
      %dma_wait3A = arith.constant 0 : i32
      %dma_wait3A_185 = tpu.memref_slice %arg7[%dma_wait3A] : memref<8192xi32, #tpu.memory_space<hbm>> -> memref<2048xi32, #tpu.memory_space<hbm>>
      %dma_wait3A_186 = arith.constant 0 : i32
      %dma_wait3A_187 = tpu.memref_slice %arg7[%dma_wait3A_186] : memref<8192xi32, #tpu.memory_space<hbm>> -> memref<2048xi32, #tpu.memory_space<hbm>>
      tpu.wait_dma2 semaphore(%run_scoped3A : memref<!tpu.dma_semaphore, #tpu.memory_space<semaphore_mem>>) src(%dma_wait3A_187 : memref<2048xi32, #tpu.memory_space<hbm>>) dst(%arg16 : memref<2048xi32, #tpu.memory_space<vmem>>)
      tpu.yield
    }) : () -> ()
    %scan3A_77 = arith.constant 0 : i32
    %scan3A_78 = arith.constant 0 : i32
    %scan3A_79 = arith.constant 128 : i32
    %scan3A_80 = arith.addi %scan3A_78, %scan3A_79 : i32
    %scan3A_81 = arith.constant 1 : i32
    %scan3A_82 = scf.for %scan3A_182 = %scan3A_78 to %scan3A_80 step %scan3A_81 iter_args(%scan3A_183 = %scan3A_77) -> (i32)  : i32 {
      %mul3A_184 = arith.constant 16 : i32
      %mul3A_185 = arith.muli %scan3A_182, %mul3A_184 : i32
      %get3A = arith.index_cast %mul3A_185 : i32 to index
      %get3A_186 = tpu.vector_load %arg16[%get3A] {strides = array<i32>} : memref<2048xi32, #tpu.memory_space<vmem>>, vector<16xi32>,
      %shift_right_arithmetic3A = arith.constant 4 : i32
      %shift_right_arithmetic3A_187 = vector.broadcast %shift_right_arithmetic3A : i32 to vector<16xi32>
      %shift_right_arithmetic3A_188 = arith.shrsi %get3A_186, %shift_right_arithmetic3A_187 : vector<16xi32>
      %eq3A_189 = vector.broadcast %add3A : i32 to vector<16xi32>
      %eq3A_190 = arith.cmpi eq, %shift_right_arithmetic3A_188, %eq3A_189 : vector<16xi32>
      %iota3A_191 = tpu.iota {dimensions = array<i32: 0>} : vector<16xi32>
      %mul3A_192 = arith.constant 16 : i32
      %mul3A_193 = arith.muli %scan3A_182, %mul3A_192 : i32
      %add3A_194 = arith.constant 0 : i32
      %add3A_195 = arith.addi %add3A_194, %mul3A_193 : i32
      %add3A_196 = vector.broadcast %add3A_195 : i32 to vector<16xi32>
      %add3A_197 = arith.addi %iota3A_191, %add3A_196 : vector<16xi32>
      %convert_element_type3A = arith.extui %eq3A_190 : vector<16xi1> to vector<16xi32>
      %broadcast_in_dim3A = arith.constant true
      %broadcast_in_dim3A_198 = vector.broadcast %broadcast_in_dim3A : i1 to vector<16xi1>
      %masked_cumsum3A = tpu.scan <sum>, %convert_element_type3A masked %broadcast_in_dim3A_198 : vector<16xi32>, vector<16xi1> -> vector<16xi32>
      %sub3A_199 = arith.subi %masked_cumsum3A, %convert_element_type3A : vector<16xi32>
      %add3A_200 = vector.broadcast %scan3A_183 : i32 to vector<16xi32>
      %add3A_201 = arith.addi %sub3A_199, %add3A_200 : vector<16xi32>
      tpu.vector_store_idx %arg20[%add3A_201], %add3A_197 masked %eq3A_190 : memref<416xi32, #tpu.memory_space<vmem>>[vector<16xi32>], vector<16xi32>, vector<16xi1>
      tpu.vector_store_idx %arg21[%add3A_201], %get3A_186 masked %eq3A_190 : memref<416xi32, #tpu.memory_space<vmem>>[vector<16xi32>], vector<16xi32>, vector<16xi1>
      %reduce_sum3A = arith.constant true
      %reduce_sum3A_202 = vector.broadcast %reduce_sum3A : i1 to vector<16xi1>
      %reduce_sum3A_203 = tpu.scan <sum>, %convert_element_type3A masked %reduce_sum3A_202 : vector<16xi32>, vector<16xi1> -> vector<16xi32>
      %reduce_sum3A_204 = vector.extract %reduce_sum3A_203[15] : i32 from vector<16xi32>
      %add3A_205 = arith.addi %scan3A_183, %reduce_sum3A_204 : i32
      %min3A = arith.constant 384 : i32
      %min3A_206 = arith.minsi %add3A_205, %min3A : i32
      scf.yield %min3A_206 : i32
    }
    %scan3A_83 = arith.constant 128 : i32
    "tpu.region"() ({
      %run_scoped3A = tpu.sem_alloc : memref<!tpu.dma_semaphore, #tpu.memory_space<semaphore_mem>>
      %dma_start3A = arith.constant 2048 : i32
      %dma_start3A_182 = tpu.memref_slice %arg7[%dma_start3A] : memref<8192xi32, #tpu.memory_space<hbm>> -> memref<2048xi32, #tpu.memory_space<hbm>>
      %dma_start3A_183 = arith.constant 2048 : i32
      %dma_start3A_184 = tpu.memref_slice %arg7[%dma_start3A_183] : memref<8192xi32, #tpu.memory_space<hbm>> -> memref<2048xi32, #tpu.memory_space<hbm>>
      tpu.enqueue_dma source(%dma_start3A_184 : memref<2048xi32, #tpu.memory_space<hbm>>) target(%arg16 : memref<2048xi32, #tpu.memory_space<vmem>>) target_semaphore(%run_scoped3A : memref<!tpu.dma_semaphore, #tpu.memory_space<semaphore_mem>>)
      %dma_wait3A = arith.constant 2048 : i32
      %dma_wait3A_185 = tpu.memref_slice %arg7[%dma_wait3A] : memref<8192xi32, #tpu.memory_space<hbm>> -> memref<2048xi32, #tpu.memory_space<hbm>>
      %dma_wait3A_186 = arith.constant 2048 : i32
      %dma_wait3A_187 = tpu.memref_slice %arg7[%dma_wait3A_186] : memref<8192xi32, #tpu.memory_space<hbm>> -> memref<2048xi32, #tpu.memory_space<hbm>>
      tpu.wait_dma2 semaphore(%run_scoped3A : memref<!tpu.dma_semaphore, #tpu.memory_space<semaphore_mem>>) src(%dma_wait3A_187 : memref<2048xi32, #tpu.memory_space<hbm>>) dst(%arg16 : memref<2048xi32, #tpu.memory_space<vmem>>)
      tpu.yield
    }) : () -> ()
    %scan3A_84 = arith.constant 0 : i32
    %scan3A_85 = arith.constant 128 : i32
    %scan3A_86 = arith.addi %scan3A_84, %scan3A_85 : i32
    %scan3A_87 = arith.constant 1 : i32
    %scan3A_88 = scf.for %scan3A_182 = %scan3A_84 to %scan3A_86 step %scan3A_87 iter_args(%scan3A_183 = %scan3A_82) -> (i32)  : i32 {
      %mul3A_184 = arith.constant 16 : i32
      %mul3A_185 = arith.muli %scan3A_182, %mul3A_184 : i32
      %get3A = arith.index_cast %mul3A_185 : i32 to index
      %get3A_186 = tpu.vector_load %arg16[%get3A] {strides = array<i32>} : memref<2048xi32, #tpu.memory_space<vmem>>, vector<16xi32>,
      %shift_right_arithmetic3A = arith.constant 4 : i32
      %shift_right_arithmetic3A_187 = vector.broadcast %shift_right_arithmetic3A : i32 to vector<16xi32>
      %shift_right_arithmetic3A_188 = arith.shrsi %get3A_186, %shift_right_arithmetic3A_187 : vector<16xi32>
      %eq3A_189 = vector.broadcast %add3A : i32 to vector<16xi32>
      %eq3A_190 = arith.cmpi eq, %shift_right_arithmetic3A_188, %eq3A_189 : vector<16xi32>
      %iota3A_191 = tpu.iota {dimensions = array<i32: 0>} : vector<16xi32>
      %mul3A_192 = arith.constant 16 : i32
      %mul3A_193 = arith.muli %scan3A_182, %mul3A_192 : i32
      %add3A_194 = arith.constant 2048 : i32
      %add3A_195 = arith.addi %add3A_194, %mul3A_193 : i32
      %add3A_196 = vector.broadcast %add3A_195 : i32 to vector<16xi32>
      %add3A_197 = arith.addi %iota3A_191, %add3A_196 : vector<16xi32>
      %convert_element_type3A = arith.extui %eq3A_190 : vector<16xi1> to vector<16xi32>
      %broadcast_in_dim3A = arith.constant true
      %broadcast_in_dim3A_198 = vector.broadcast %broadcast_in_dim3A : i1 to vector<16xi1>
      %masked_cumsum3A = tpu.scan <sum>, %convert_element_type3A masked %broadcast_in_dim3A_198 : vector<16xi32>, vector<16xi1> -> vector<16xi32>
      %sub3A_199 = arith.subi %masked_cumsum3A, %convert_element_type3A : vector<16xi32>
      %add3A_200 = vector.broadcast %scan3A_183 : i32 to vector<16xi32>
      %add3A_201 = arith.addi %sub3A_199, %add3A_200 : vector<16xi32>
      tpu.vector_store_idx %arg20[%add3A_201], %add3A_197 masked %eq3A_190 : memref<416xi32, #tpu.memory_space<vmem>>[vector<16xi32>], vector<16xi32>, vector<16xi1>
      tpu.vector_store_idx %arg21[%add3A_201], %get3A_186 masked %eq3A_190 : memref<416xi32, #tpu.memory_space<vmem>>[vector<16xi32>], vector<16xi32>, vector<16xi1>
      %reduce_sum3A = arith.constant true
      %reduce_sum3A_202 = vector.broadcast %reduce_sum3A : i1 to vector<16xi1>
      %reduce_sum3A_203 = tpu.scan <sum>, %convert_element_type3A masked %reduce_sum3A_202 : vector<16xi32>, vector<16xi1> -> vector<16xi32>
      %reduce_sum3A_204 = vector.extract %reduce_sum3A_203[15] : i32 from vector<16xi32>
      %add3A_205 = arith.addi %scan3A_183, %reduce_sum3A_204 : i32
      %min3A = arith.constant 384 : i32
      %min3A_206 = arith.minsi %add3A_205, %min3A : i32
      scf.yield %min3A_206 : i32
    }
    %scan3A_89 = arith.constant 128 : i32
    "tpu.region"() ({
      %run_scoped3A = tpu.sem_alloc : memref<!tpu.dma_semaphore, #tpu.memory_space<semaphore_mem>>
      %dma_start3A = arith.constant 4096 : i32
      %dma_start3A_182 = tpu.memref_slice %arg7[%dma_start3A] : memref<8192xi32, #tpu.memory_space<hbm>> -> memref<2048xi32, #tpu.memory_space<hbm>>
      %dma_start3A_183 = arith.constant 4096 : i32
      %dma_start3A_184 = tpu.memref_slice %arg7[%dma_start3A_183] : memref<8192xi32, #tpu.memory_space<hbm>> -> memref<2048xi32, #tpu.memory_space<hbm>>
      tpu.enqueue_dma source(%dma_start3A_184 : memref<2048xi32, #tpu.memory_space<hbm>>) target(%arg16 : memref<2048xi32, #tpu.memory_space<vmem>>) target_semaphore(%run_scoped3A : memref<!tpu.dma_semaphore, #tpu.memory_space<semaphore_mem>>)
      %dma_wait3A = arith.constant 4096 : i32
      %dma_wait3A_185 = tpu.memref_slice %arg7[%dma_wait3A] : memref<8192xi32, #tpu.memory_space<hbm>> -> memref<2048xi32, #tpu.memory_space<hbm>>
      %dma_wait3A_186 = arith.constant 4096 : i32
      %dma_wait3A_187 = tpu.memref_slice %arg7[%dma_wait3A_186] : memref<8192xi32, #tpu.memory_space<hbm>> -> memref<2048xi32, #tpu.memory_space<hbm>>
      tpu.wait_dma2 semaphore(%run_scoped3A : memref<!tpu.dma_semaphore, #tpu.memory_space<semaphore_mem>>) src(%dma_wait3A_187 : memref<2048xi32, #tpu.memory_space<hbm>>) dst(%arg16 : memref<2048xi32, #tpu.memory_space<vmem>>)
      tpu.yield
    }) : () -> ()
    %scan3A_90 = arith.constant 0 : i32
    %scan3A_91 = arith.constant 128 : i32
    %scan3A_92 = arith.addi %scan3A_90, %scan3A_91 : i32
    %scan3A_93 = arith.constant 1 : i32
    %scan3A_94 = scf.for %scan3A_182 = %scan3A_90 to %scan3A_92 step %scan3A_93 iter_args(%scan3A_183 = %scan3A_88) -> (i32)  : i32 {
      %mul3A_184 = arith.constant 16 : i32
      %mul3A_185 = arith.muli %scan3A_182, %mul3A_184 : i32
      %get3A = arith.index_cast %mul3A_185 : i32 to index
      %get3A_186 = tpu.vector_load %arg16[%get3A] {strides = array<i32>} : memref<2048xi32, #tpu.memory_space<vmem>>, vector<16xi32>,
      %shift_right_arithmetic3A = arith.constant 4 : i32
      %shift_right_arithmetic3A_187 = vector.broadcast %shift_right_arithmetic3A : i32 to vector<16xi32>
      %shift_right_arithmetic3A_188 = arith.shrsi %get3A_186, %shift_right_arithmetic3A_187 : vector<16xi32>
      %eq3A_189 = vector.broadcast %add3A : i32 to vector<16xi32>
      %eq3A_190 = arith.cmpi eq, %shift_right_arithmetic3A_188, %eq3A_189 : vector<16xi32>
      %iota3A_191 = tpu.iota {dimensions = array<i32: 0>} : vector<16xi32>
      %mul3A_192 = arith.constant 16 : i32
      %mul3A_193 = arith.muli %scan3A_182, %mul3A_192 : i32
      %add3A_194 = arith.constant 4096 : i32
      %add3A_195 = arith.addi %add3A_194, %mul3A_193 : i32
      %add3A_196 = vector.broadcast %add3A_195 : i32 to vector<16xi32>
      %add3A_197 = arith.addi %iota3A_191, %add3A_196 : vector<16xi32>
      %convert_element_type3A = arith.extui %eq3A_190 : vector<16xi1> to vector<16xi32>
      %broadcast_in_dim3A = arith.constant true
      %broadcast_in_dim3A_198 = vector.broadcast %broadcast_in_dim3A : i1 to vector<16xi1>
      %masked_cumsum3A = tpu.scan <sum>, %convert_element_type3A masked %broadcast_in_dim3A_198 : vector<16xi32>, vector<16xi1> -> vector<16xi32>
      %sub3A_199 = arith.subi %masked_cumsum3A, %convert_element_type3A : vector<16xi32>
      %add3A_200 = vector.broadcast %scan3A_183 : i32 to vector<16xi32>
      %add3A_201 = arith.addi %sub3A_199, %add3A_200 : vector<16xi32>
      tpu.vector_store_idx %arg20[%add3A_201], %add3A_197 masked %eq3A_190 : memref<416xi32, #tpu.memory_space<vmem>>[vector<16xi32>], vector<16xi32>, vector<16xi1>
      tpu.vector_store_idx %arg21[%add3A_201], %get3A_186 masked %eq3A_190 : memref<416xi32, #tpu.memory_space<vmem>>[vector<16xi32>], vector<16xi32>, vector<16xi1>
      %reduce_sum3A = arith.constant true
      %reduce_sum3A_202 = vector.broadcast %reduce_sum3A : i1 to vector<16xi1>
      %reduce_sum3A_203 = tpu.scan <sum>, %convert_element_type3A masked %reduce_sum3A_202 : vector<16xi32>, vector<16xi1> -> vector<16xi32>
      %reduce_sum3A_204 = vector.extract %reduce_sum3A_203[15] : i32 from vector<16xi32>
      %add3A_205 = arith.addi %scan3A_183, %reduce_sum3A_204 : i32
      %min3A = arith.constant 384 : i32
      %min3A_206 = arith.minsi %add3A_205, %min3A : i32
      scf.yield %min3A_206 : i32
    }
    %scan3A_95 = arith.constant 128 : i32
    "tpu.region"() ({
      %run_scoped3A = tpu.sem_alloc : memref<!tpu.dma_semaphore, #tpu.memory_space<semaphore_mem>>
      %dma_start3A = arith.constant 6144 : i32
      %dma_start3A_182 = tpu.memref_slice %arg7[%dma_start3A] : memref<8192xi32, #tpu.memory_space<hbm>> -> memref<2048xi32, #tpu.memory_space<hbm>>
      %dma_start3A_183 = arith.constant 6144 : i32
      %dma_start3A_184 = tpu.memref_slice %arg7[%dma_start3A_183] : memref<8192xi32, #tpu.memory_space<hbm>> -> memref<2048xi32, #tpu.memory_space<hbm>>
      tpu.enqueue_dma source(%dma_start3A_184 : memref<2048xi32, #tpu.memory_space<hbm>>) target(%arg16 : memref<2048xi32, #tpu.memory_space<vmem>>) target_semaphore(%run_scoped3A : memref<!tpu.dma_semaphore, #tpu.memory_space<semaphore_mem>>)
      %dma_wait3A = arith.constant 6144 : i32
      %dma_wait3A_185 = tpu.memref_slice %arg7[%dma_wait3A] : memref<8192xi32, #tpu.memory_space<hbm>> -> memref<2048xi32, #tpu.memory_space<hbm>>
      %dma_wait3A_186 = arith.constant 6144 : i32
      %dma_wait3A_187 = tpu.memref_slice %arg7[%dma_wait3A_186] : memref<8192xi32, #tpu.memory_space<hbm>> -> memref<2048xi32, #tpu.memory_space<hbm>>
      tpu.wait_dma2 semaphore(%run_scoped3A : memref<!tpu.dma_semaphore, #tpu.memory_space<semaphore_mem>>) src(%dma_wait3A_187 : memref<2048xi32, #tpu.memory_space<hbm>>) dst(%arg16 : memref<2048xi32, #tpu.memory_space<vmem>>)
      tpu.yield
    }) : () -> ()
    %scan3A_96 = arith.constant 0 : i32
    %scan3A_97 = arith.constant 128 : i32
    %scan3A_98 = arith.addi %scan3A_96, %scan3A_97 : i32
    %scan3A_99 = arith.constant 1 : i32
    %scan3A_100 = scf.for %scan3A_182 = %scan3A_96 to %scan3A_98 step %scan3A_99 iter_args(%scan3A_183 = %scan3A_94) -> (i32)  : i32 {
      %mul3A_184 = arith.constant 16 : i32
      %mul3A_185 = arith.muli %scan3A_182, %mul3A_184 : i32
      %get3A = arith.index_cast %mul3A_185 : i32 to index
      %get3A_186 = tpu.vector_load %arg16[%get3A] {strides = array<i32>} : memref<2048xi32, #tpu.memory_space<vmem>>, vector<16xi32>,
      %shift_right_arithmetic3A = arith.constant 4 : i32
      %shift_right_arithmetic3A_187 = vector.broadcast %shift_right_arithmetic3A : i32 to vector<16xi32>
      %shift_right_arithmetic3A_188 = arith.shrsi %get3A_186, %shift_right_arithmetic3A_187 : vector<16xi32>
      %eq3A_189 = vector.broadcast %add3A : i32 to vector<16xi32>
      %eq3A_190 = arith.cmpi eq, %shift_right_arithmetic3A_188, %eq3A_189 : vector<16xi32>
      %iota3A_191 = tpu.iota {dimensions = array<i32: 0>} : vector<16xi32>
      %mul3A_192 = arith.constant 16 : i32
      %mul3A_193 = arith.muli %scan3A_182, %mul3A_192 : i32
      %add3A_194 = arith.constant 6144 : i32
      %add3A_195 = arith.addi %add3A_194, %mul3A_193 : i32
      %add3A_196 = vector.broadcast %add3A_195 : i32 to vector<16xi32>
      %add3A_197 = arith.addi %iota3A_191, %add3A_196 : vector<16xi32>
      %convert_element_type3A = arith.extui %eq3A_190 : vector<16xi1> to vector<16xi32>
      %broadcast_in_dim3A = arith.constant true
      %broadcast_in_dim3A_198 = vector.broadcast %broadcast_in_dim3A : i1 to vector<16xi1>
      %masked_cumsum3A = tpu.scan <sum>, %convert_element_type3A masked %broadcast_in_dim3A_198 : vector<16xi32>, vector<16xi1> -> vector<16xi32>
      %sub3A_199 = arith.subi %masked_cumsum3A, %convert_element_type3A : vector<16xi32>
      %add3A_200 = vector.broadcast %scan3A_183 : i32 to vector<16xi32>
      %add3A_201 = arith.addi %sub3A_199, %add3A_200 : vector<16xi32>
      tpu.vector_store_idx %arg20[%add3A_201], %add3A_197 masked %eq3A_190 : memref<416xi32, #tpu.memory_space<vmem>>[vector<16xi32>], vector<16xi32>, vector<16xi1>
      tpu.vector_store_idx %arg21[%add3A_201], %get3A_186 masked %eq3A_190 : memref<416xi32, #tpu.memory_space<vmem>>[vector<16xi32>], vector<16xi32>, vector<16xi1>
      %reduce_sum3A = arith.constant true
      %reduce_sum3A_202 = vector.broadcast %reduce_sum3A : i1 to vector<16xi1>
      %reduce_sum3A_203 = tpu.scan <sum>, %convert_element_type3A masked %reduce_sum3A_202 : vector<16xi32>, vector<16xi1> -> vector<16xi32>
      %reduce_sum3A_204 = vector.extract %reduce_sum3A_203[15] : i32 from vector<16xi32>
      %add3A_205 = arith.addi %scan3A_183, %reduce_sum3A_204 : i32
      %min3A = arith.constant 384 : i32
      %min3A_206 = arith.minsi %add3A_205, %min3A : i32
      scf.yield %min3A_206 : i32
    }
    %scan3A_101 = arith.constant 128 : i32
    %while3A = arith.constant 0 : i32
    %while3A_102 = arith.constant 0 : i32
    %while3A_103 = arith.subi %scan3A_100, %while3A : i32
    %while3A_104 = arith.addi %while3A, %while3A_103 : i32
    %while3A_105 = arith.constant 1 : i32
    %while3A_106 = arith.divsi %while3A_103, %while3A_105 : i32
    %while3A_107 = arith.muli %while3A_106, %while3A_105 : i32
    %while3A_108 = arith.addi %while3A, %while3A_107 : i32
    %while3A_109 = arith.constant 1 : i32
    %while3A_110 = scf.for %while3A_182 = %while3A to %while3A_108 step %while3A_109 iter_args(%while3A_183 = %while3A_102) -> (i32)  : i32 {
      %get3A = arith.index_cast %while3A_182 : i32 to index
      %get3A_184 = tpu.vector_load %arg20[%get3A] {strides = array<i32>} : memref<416xi32, #tpu.memory_space<vmem>>, vector<16xi32>,
      %slice3A = vector.extract_strided_slice %get3A_184 {offsets = [0], sizes = [1], strides = [1]} : vector<16xi32> to vector<1xi32>
      %squeeze3A = vector.extract %slice3A[0] : i32 from vector<1xi32>
      %get3A_185 = arith.index_cast %while3A_182 : i32 to index
      %get3A_186 = tpu.vector_load %arg21[%get3A_185] {strides = array<i32>} : memref<416xi32, #tpu.memory_space<vmem>>, vector<16xi32>,
      %slice3A_187 = vector.extract_strided_slice %get3A_186 {offsets = [0], sizes = [1], strides = [1]} : vector<16xi32> to vector<1xi32>
      %squeeze3A_188 = vector.extract %slice3A_187[0] : i32 from vector<1xi32>
      %mul3A_189 = arith.constant 16 : i32
      %mul3A_190 = arith.muli %add3A, %mul3A_189 : i32
      %sub3A_191 = arith.subi %squeeze3A_188, %mul3A_190 : i32
      %get3A_192 = arith.index_cast %sub3A_191 : i32 to index
      %get3A_193 = tpu.vector_load %arg19[%get3A_192] {strides = array<i32>} : memref<32xi32, #tpu.memory_space<vmem>>, vector<16xi32>,
      %slice3A_194 = vector.extract_strided_slice %get3A_193 {offsets = [0], sizes = [1], strides = [1]} : vector<16xi32> to vector<1xi32>
      %squeeze3A_195 = vector.extract %slice3A_194[0] : i32 from vector<1xi32>
      %get3A_196 = arith.index_cast %squeeze3A : i32 to index
      %get3A_197 = tpu.vector_load %arg17[%get3A_196] {strides = array<i32>} : memref<24592xf32, #tpu.memory_space<vmem>>, vector<16xf32>,
      %slice3A_198 = vector.extract_strided_slice %get3A_197 {offsets = [0], sizes = [1], strides = [1]} : vector<16xf32> to vector<1xf32>
      %squeeze3A_199 = vector.extract %slice3A_198[0] : f32 from vector<1xf32>
      %mul3A_200 = arith.constant 1.280000e+02 : f32
      %mul3A_201 = arith.mulf %squeeze3A_199, %mul3A_200 : f32
      %convert_element_type3A = arith.fptosi %mul3A_201 : f32 to i32
      %convert_element_type3A_202 = arith.sitofp %convert_element_type3A : i32 to f32
      %gt3A = arith.cmpf ogt, %convert_element_type3A_202, %mul3A_201 : f32
      %convert_element_type3A_203 = arith.extui %gt3A : i1 to i32
      %sub3A_204 = arith.subi %convert_element_type3A, %convert_element_type3A_203 : i32
      %add3A_205 = arith.constant 8192 : i32
      %add3A_206 = arith.addi %add3A_205, %squeeze3A : i32
      %get3A_207 = arith.index_cast %add3A_206 : i32 to index
      %get3A_208 = tpu.vector_load %arg17[%get3A_207] {strides = array<i32>} : memref<24592xf32, #tpu.memory_space<vmem>>, vector<16xf32>,
      %slice3A_209 = vector.extract_strided_slice %get3A_208 {offsets = [0], sizes = [1], strides = [1]} : vector<16xf32> to vector<1xf32>
      %squeeze3A_210 = vector.extract %slice3A_209[0] : f32 from vector<1xf32>
      %mul3A_211 = arith.constant 1.280000e+02 : f32
      %mul3A_212 = arith.mulf %squeeze3A_210, %mul3A_211 : f32
      %convert_element_type3A_213 = arith.fptosi %mul3A_212 : f32 to i32
      %convert_element_type3A_214 = arith.sitofp %convert_element_type3A_213 : i32 to f32
      %gt3A_215 = arith.cmpf ogt, %convert_element_type3A_214, %mul3A_212 : f32
      %convert_element_type3A_216 = arith.extui %gt3A_215 : i1 to i32
      %sub3A_217 = arith.subi %convert_element_type3A_213, %convert_element_type3A_216 : i32
      %add3A_218 = arith.constant 16384 : i32
      %add3A_219 = arith.addi %add3A_218, %squeeze3A : i32
      %get3A_220 = arith.index_cast %add3A_219 : i32 to index
      %get3A_221 = tpu.vector_load %arg17[%get3A_220] {strides = array<i32>} : memref<24592xf32, #tpu.memory_space<vmem>>, vector<16xf32>,
      %slice3A_222 = vector.extract_strided_slice %get3A_221 {offsets = [0], sizes = [1], strides = [1]} : vector<16xf32> to vector<1xf32>
      %squeeze3A_223 = vector.extract %slice3A_222[0] : f32 from vector<1xf32>
      %mul3A_224 = arith.constant 1.280000e+02 : f32
      %mul3A_225 = arith.mulf %squeeze3A_223, %mul3A_224 : f32
      %convert_element_type3A_226 = arith.fptosi %mul3A_225 : f32 to i32
      %convert_element_type3A_227 = arith.sitofp %convert_element_type3A_226 : i32 to f32
      %gt3A_228 = arith.cmpf ogt, %convert_element_type3A_227, %mul3A_225 : f32
      %convert_element_type3A_229 = arith.extui %gt3A_228 : i1 to i32
      %sub3A_230 = arith.subi %convert_element_type3A_226, %convert_element_type3A_229 : i32
      %broadcast_in_dim3A = arith.constant 0.000000e+00 : f32
      %broadcast_in_dim3A_231 = vector.broadcast %broadcast_in_dim3A : f32 to vector<16xf32>
      %mul3A_232 = arith.constant 32 : i32
      %mul3A_233 = arith.muli %while3A_182, %mul3A_232 : i32
      %swap3A = arith.index_cast %mul3A_233 : i32 to index
      %swap3A_234 = tpu.vector_load %arg22[%swap3A] {strides = array<i32>} : memref<12320xf32, #tpu.memory_space<vmem>>, vector<16xf32>,
      tpu.vector_store %arg22[%swap3A], %broadcast_in_dim3A_231 {strides = array<i32>} : memref<12320xf32, #tpu.memory_space<vmem>>, vector<16xf32>,
      %broadcast_in_dim3A_235 = arith.constant 0.000000e+00 : f32
      %broadcast_in_dim3A_236 = vector.broadcast %broadcast_in_dim3A_235 : f32 to vector<16xf32>
      %mul3A_237 = arith.constant 32 : i32
      %mul3A_238 = arith.muli %while3A_182, %mul3A_237 : i32
      %add3A_239 = arith.constant 16 : i32
      %add3A_240 = arith.addi %mul3A_238, %add3A_239 : i32
      %swap3A_241 = arith.index_cast %add3A_240 : i32 to index
      %swap3A_242 = tpu.vector_load %arg22[%swap3A_241] {strides = array<i32>} : memref<12320xf32, #tpu.memory_space<vmem>>, vector<16xf32>,
      tpu.vector_store %arg22[%swap3A_241], %broadcast_in_dim3A_236 {strides = array<i32>} : memref<12320xf32, #tpu.memory_space<vmem>>, vector<16xf32>,
      %add3A_243 = arith.constant 15 : i32
      %add3A_244 = arith.addi %squeeze3A_195, %add3A_243 : i32
      %jit3A_245 = arith.constant 16 : i32
      %div3A_246 = arith.divsi %add3A_244, %jit3A_245 : i32
      %sign3A_247 = arith.constant 0 : i32
      %sign3A_248 = arith.cmpi sgt, %add3A_244, %sign3A_247 : i32
      %sign3A_249 = arith.extui %sign3A_248 : i1 to i32
      %sign3A_250 = arith.constant 0 : i32
      %sign3A_251 = arith.cmpi slt, %add3A_244, %sign3A_250 : i32
      %sign3A_252 = arith.extui %sign3A_251 : i1 to i32
      %sign3A_253 = arith.subi %sign3A_249, %sign3A_252 : i32
      %sign3A_254 = arith.constant 0 : i32
      %sign3A_255 = arith.cmpi sgt, %jit3A_245, %sign3A_254 : i32
      %sign3A_256 = arith.extui %sign3A_255 : i1 to i32
      %sign3A_257 = arith.constant 0 : i32
      %sign3A_258 = arith.cmpi slt, %jit3A_245, %sign3A_257 : i32
      %sign3A_259 = arith.extui %sign3A_258 : i1 to i32
      %sign3A_260 = arith.subi %sign3A_256, %sign3A_259 : i32
      %ne3A_261 = arith.cmpi ne, %sign3A_253, %sign3A_260 : i32
      %rem3A_262 = arith.remsi %add3A_244, %jit3A_245 : i32
      %ne3A_263 = arith.constant 0 : i32
      %ne3A_264 = arith.cmpi ne, %rem3A_262, %ne3A_263 : i32
      %and3A_265 = arith.andi %ne3A_261, %ne3A_264 : i1
      %sub3A_266 = arith.constant 1 : i32
      %sub3A_267 = arith.subi %div3A_246, %sub3A_266 : i32
      %select_n3A_268 = arith.select %and3A_265, %sub3A_267, %div3A_246 : i32
      %while3A_269 = arith.constant 0 : i32
      %while3A_270 = arith.subi %select_n3A_268, %while3A_269 : i32
      %while3A_271 = arith.addi %while3A_269, %while3A_270 : i32
      %while3A_272 = arith.constant 1 : i32
      %while3A_273 = arith.divsi %while3A_270, %while3A_272 : i32
      %while3A_274 = arith.muli %while3A_273, %while3A_272 : i32
      %while3A_275 = arith.addi %while3A_269, %while3A_274 : i32
      %while3A_276 = arith.constant 1 : i32
      %while3A_277 = scf.for %while3A_280 = %while3A_269 to %while3A_275 step %while3A_276 iter_args(%while3A_281 = %while3A_183) -> (i32)  : i32 {
        %mul3A_282 = arith.constant 80 : i32
        %mul3A_283 = arith.muli %sub3A_191, %mul3A_282 : i32
        %mul3A_284 = arith.constant 16 : i32
        %mul3A_285 = arith.muli %while3A_280, %mul3A_284 : i32
        %add3A_286 = arith.addi %mul3A_283, %mul3A_285 : i32
        %get3A_287 = arith.index_cast %add3A_286 : i32 to index
        %get3A_288 = tpu.vector_load %arg18[%get3A_287] {strides = array<i32>} : memref<1280xi32, #tpu.memory_space<vmem>>, vector<16xi32>,
        %iota3A_289 = tpu.iota {dimensions = array<i32: 0>} : vector<16xi32>
        %mul3A_290 = arith.constant 16 : i32
        %mul3A_291 = arith.muli %while3A_280, %mul3A_290 : i32
        %add3A_292 = vector.broadcast %mul3A_291 : i32 to vector<16xi32>
        %add3A_293 = arith.addi %iota3A_289, %add3A_292 : vector<16xi32>
        %lt3A_294 = vector.broadcast %squeeze3A_195 : i32 to vector<16xi32>
        %lt3A_295 = arith.cmpi slt, %add3A_293, %lt3A_294 : vector<16xi32>
        %jit3A_296 = arith.constant 0 : i32
        %broadcast_in_dim3A_297 = vector.broadcast %jit3A_296 : i32 to vector<16xi32>
        %select_n3A_298 = arith.select %lt3A_295, %get3A_288, %broadcast_in_dim3A_297 : vector<16xi1>, vector<16xi32>
        %gather3A = tpu.vector_load_idx %arg10[%select_n3A_298] : memref<4112xi32, #tpu.memory_space<vmem>>[vector<16xi32>], vector<16xi32>,
        %add3A_299 = arith.constant 1024 : i32
        %add3A_300 = vector.broadcast %add3A_299 : i32 to vector<16xi32>
        %add3A_301 = arith.addi %select_n3A_298, %add3A_300 : vector<16xi32>
        %gather3A_302 = tpu.vector_load_idx %arg10[%add3A_301] : memref<4112xi32, #tpu.memory_space<vmem>>[vector<16xi32>], vector<16xi32>,
        %add3A_303 = arith.constant 2048 : i32
        %add3A_304 = vector.broadcast %add3A_303 : i32 to vector<16xi32>
        %add3A_305 = arith.addi %select_n3A_298, %add3A_304 : vector<16xi32>
        %gather3A_306 = tpu.vector_load_idx %arg10[%add3A_305] : memref<4112xi32, #tpu.memory_space<vmem>>[vector<16xi32>], vector<16xi32>,
        %add3A_307 = arith.constant 3072 : i32
        %add3A_308 = vector.broadcast %add3A_307 : i32 to vector<16xi32>
        %add3A_309 = arith.addi %select_n3A_298, %add3A_308 : vector<16xi32>
        %gather3A_310 = tpu.vector_load_idx %arg10[%add3A_309] : memref<4112xi32, #tpu.memory_space<vmem>>[vector<16xi32>], vector<16xi32>,
        %sub3A_311 = vector.broadcast %sub3A_204 : i32 to vector<16xi32>
        %sub3A_312 = arith.subi %sub3A_311, %gather3A : vector<16xi32>
        %abs3A = math.absi %sub3A_312 : vector<16xi32>
        %le3A = arith.cmpi sle, %abs3A, %gather3A_310 : vector<16xi32>
        %and3A_313 = arith.andi %lt3A_295, %le3A : vector<16xi1>
        %sub3A_314 = vector.broadcast %sub3A_217 : i32 to vector<16xi32>
        %sub3A_315 = arith.subi %sub3A_314, %gather3A_302 : vector<16xi32>
        %abs3A_316 = math.absi %sub3A_315 : vector<16xi32>
        %le3A_317 = arith.cmpi sle, %abs3A_316, %gather3A_310 : vector<16xi32>
        %and3A_318 = arith.andi %and3A_313, %le3A_317 : vector<16xi1>
        %sub3A_319 = vector.broadcast %sub3A_230 : i32 to vector<16xi32>
        %sub3A_320 = arith.subi %sub3A_319, %gather3A_306 : vector<16xi32>
        %abs3A_321 = math.absi %sub3A_320 : vector<16xi32>
        %le3A_322 = arith.cmpi sle, %abs3A_321, %gather3A_310 : vector<16xi32>
        %and3A_323 = arith.andi %and3A_318, %le3A_322 : vector<16xi1>
        %convert_element_type3A_324 = arith.extui %and3A_323 : vector<16xi1> to vector<16xi32>
        %broadcast_in_dim3A_325 = arith.constant true
        %broadcast_in_dim3A_326 = vector.broadcast %broadcast_in_dim3A_325 : i1 to vector<16xi1>
        %masked_cumsum3A = tpu.scan <sum>, %convert_element_type3A_324 masked %broadcast_in_dim3A_326 : vector<16xi32>, vector<16xi1> -> vector<16xi32>
        %sub3A_327 = arith.subi %masked_cumsum3A, %convert_element_type3A_324 : vector<16xi32>
        %add3A_328 = vector.broadcast %while3A_281 : i32 to vector<16xi32>
        %add3A_329 = arith.addi %sub3A_327, %add3A_328 : vector<16xi32>
        tpu.vector_store_idx %arg24[%add3A_329], %select_n3A_298 masked %and3A_323 : memref<352xi32, #tpu.memory_space<vmem>>[vector<16xi32>], vector<16xi32>, vector<16xi1>
        %broadcast_in_dim3A_330 = vector.broadcast %while3A_182 : i32 to vector<16xi32>
        tpu.vector_store_idx %arg25[%add3A_329], %broadcast_in_dim3A_330 masked %and3A_323 : memref<352xi32, #tpu.memory_space<vmem>>[vector<16xi32>], vector<16xi32>, vector<16xi1>
        %reduce_sum3A = arith.constant true
        %reduce_sum3A_331 = vector.broadcast %reduce_sum3A : i1 to vector<16xi1>
        %reduce_sum3A_332 = tpu.scan <sum>, %convert_element_type3A_324 masked %reduce_sum3A_331 : vector<16xi32>, vector<16xi1> -> vector<16xi32>
        %reduce_sum3A_333 = vector.extract %reduce_sum3A_332[15] : i32 from vector<16xi32>
        %add3A_334 = arith.addi %while3A_281, %reduce_sum3A_333 : i32
        %min3A = arith.constant 320 : i32
        %min3A_335 = arith.minsi %add3A_334, %min3A : i32
        scf.yield %min3A_335 : i32
      }
      %while3A_278 = arith.constant 1 : i32
      %while3A_279 = scf.for %while3A_280 = %while3A_275 to %while3A_271 step %while3A_278 iter_args(%while3A_281 = %while3A_277) -> (i32)  : i32 {
        %mul3A_282 = arith.constant 80 : i32
        %mul3A_283 = arith.muli %sub3A_191, %mul3A_282 : i32
        %mul3A_284 = arith.constant 16 : i32
        %mul3A_285 = arith.muli %while3A_280, %mul3A_284 : i32
        %add3A_286 = arith.addi %mul3A_283, %mul3A_285 : i32
        %get3A_287 = arith.index_cast %add3A_286 : i32 to index
        %get3A_288 = tpu.vector_load %arg18[%get3A_287] {strides = array<i32>} : memref<1280xi32, #tpu.memory_space<vmem>>, vector<16xi32>,
        %iota3A_289 = tpu.iota {dimensions = array<i32: 0>} : vector<16xi32>
        %mul3A_290 = arith.constant 16 : i32
        %mul3A_291 = arith.muli %while3A_280, %mul3A_290 : i32
        %add3A_292 = vector.broadcast %mul3A_291 : i32 to vector<16xi32>
        %add3A_293 = arith.addi %iota3A_289, %add3A_292 : vector<16xi32>
        %lt3A_294 = vector.broadcast %squeeze3A_195 : i32 to vector<16xi32>
        %lt3A_295 = arith.cmpi slt, %add3A_293, %lt3A_294 : vector<16xi32>
        %jit3A_296 = arith.constant 0 : i32
        %broadcast_in_dim3A_297 = vector.broadcast %jit3A_296 : i32 to vector<16xi32>
        %select_n3A_298 = arith.select %lt3A_295, %get3A_288, %broadcast_in_dim3A_297 : vector<16xi1>, vector<16xi32>
        %gather3A = tpu.vector_load_idx %arg10[%select_n3A_298] : memref<4112xi32, #tpu.memory_space<vmem>>[vector<16xi32>], vector<16xi32>,
        %add3A_299 = arith.constant 1024 : i32
        %add3A_300 = vector.broadcast %add3A_299 : i32 to vector<16xi32>
        %add3A_301 = arith.addi %select_n3A_298, %add3A_300 : vector<16xi32>
        %gather3A_302 = tpu.vector_load_idx %arg10[%add3A_301] : memref<4112xi32, #tpu.memory_space<vmem>>[vector<16xi32>], vector<16xi32>,
        %add3A_303 = arith.constant 2048 : i32
        %add3A_304 = vector.broadcast %add3A_303 : i32 to vector<16xi32>
        %add3A_305 = arith.addi %select_n3A_298, %add3A_304 : vector<16xi32>
        %gather3A_306 = tpu.vector_load_idx %arg10[%add3A_305] : memref<4112xi32, #tpu.memory_space<vmem>>[vector<16xi32>], vector<16xi32>,
        %add3A_307 = arith.constant 3072 : i32
        %add3A_308 = vector.broadcast %add3A_307 : i32 to vector<16xi32>
        %add3A_309 = arith.addi %select_n3A_298, %add3A_308 : vector<16xi32>
        %gather3A_310 = tpu.vector_load_idx %arg10[%add3A_309] : memref<4112xi32, #tpu.memory_space<vmem>>[vector<16xi32>], vector<16xi32>,
        %sub3A_311 = vector.broadcast %sub3A_204 : i32 to vector<16xi32>
        %sub3A_312 = arith.subi %sub3A_311, %gather3A : vector<16xi32>
        %abs3A = math.absi %sub3A_312 : vector<16xi32>
        %le3A = arith.cmpi sle, %abs3A, %gather3A_310 : vector<16xi32>
        %and3A_313 = arith.andi %lt3A_295, %le3A : vector<16xi1>
        %sub3A_314 = vector.broadcast %sub3A_217 : i32 to vector<16xi32>
        %sub3A_315 = arith.subi %sub3A_314, %gather3A_302 : vector<16xi32>
        %abs3A_316 = math.absi %sub3A_315 : vector<16xi32>
        %le3A_317 = arith.cmpi sle, %abs3A_316, %gather3A_310 : vector<16xi32>
        %and3A_318 = arith.andi %and3A_313, %le3A_317 : vector<16xi1>
        %sub3A_319 = vector.broadcast %sub3A_230 : i32 to vector<16xi32>
        %sub3A_320 = arith.subi %sub3A_319, %gather3A_306 : vector<16xi32>
        %abs3A_321 = math.absi %sub3A_320 : vector<16xi32>
        %le3A_322 = arith.cmpi sle, %abs3A_321, %gather3A_310 : vector<16xi32>
        %and3A_323 = arith.andi %and3A_318, %le3A_322 : vector<16xi1>
        %convert_element_type3A_324 = arith.extui %and3A_323 : vector<16xi1> to vector<16xi32>
        %broadcast_in_dim3A_325 = arith.constant true
        %broadcast_in_dim3A_326 = vector.broadcast %broadcast_in_dim3A_325 : i1 to vector<16xi1>
        %masked_cumsum3A = tpu.scan <sum>, %convert_element_type3A_324 masked %broadcast_in_dim3A_326 : vector<16xi32>, vector<16xi1> -> vector<16xi32>
        %sub3A_327 = arith.subi %masked_cumsum3A, %convert_element_type3A_324 : vector<16xi32>
        %add3A_328 = vector.broadcast %while3A_281 : i32 to vector<16xi32>
        %add3A_329 = arith.addi %sub3A_327, %add3A_328 : vector<16xi32>
        tpu.vector_store_idx %arg24[%add3A_329], %select_n3A_298 masked %and3A_323 : memref<352xi32, #tpu.memory_space<vmem>>[vector<16xi32>], vector<16xi32>, vector<16xi1>
        %broadcast_in_dim3A_330 = vector.broadcast %while3A_182 : i32 to vector<16xi32>
        tpu.vector_store_idx %arg25[%add3A_329], %broadcast_in_dim3A_330 masked %and3A_323 : memref<352xi32, #tpu.memory_space<vmem>>[vector<16xi32>], vector<16xi32>, vector<16xi1>
        %reduce_sum3A = arith.constant true
        %reduce_sum3A_331 = vector.broadcast %reduce_sum3A : i1 to vector<16xi1>
        %reduce_sum3A_332 = tpu.scan <sum>, %convert_element_type3A_324 masked %reduce_sum3A_331 : vector<16xi32>, vector<16xi1> -> vector<16xi32>
        %reduce_sum3A_333 = vector.extract %reduce_sum3A_332[15] : i32 from vector<16xi32>
        %add3A_334 = arith.addi %while3A_281, %reduce_sum3A_333 : i32
        %min3A = arith.constant 320 : i32
        %min3A_335 = arith.minsi %add3A_334, %min3A : i32
        scf.yield %min3A_335 : i32
      }
      scf.yield %while3A_279 : i32
    }
    %while3A_111 = arith.constant 1 : i32
    %while3A_112 = scf.for %while3A_182 = %while3A_108 to %while3A_104 step %while3A_111 iter_args(%while3A_183 = %while3A_110) -> (i32)  : i32 {
      %get3A = arith.index_cast %while3A_182 : i32 to index
      %get3A_184 = tpu.vector_load %arg20[%get3A] {strides = array<i32>} : memref<416xi32, #tpu.memory_space<vmem>>, vector<16xi32>,
      %slice3A = vector.extract_strided_slice %get3A_184 {offsets = [0], sizes = [1], strides = [1]} : vector<16xi32> to vector<1xi32>
      %squeeze3A = vector.extract %slice3A[0] : i32 from vector<1xi32>
      %get3A_185 = arith.index_cast %while3A_182 : i32 to index
      %get3A_186 = tpu.vector_load %arg21[%get3A_185] {strides = array<i32>} : memref<416xi32, #tpu.memory_space<vmem>>, vector<16xi32>,
      %slice3A_187 = vector.extract_strided_slice %get3A_186 {offsets = [0], sizes = [1], strides = [1]} : vector<16xi32> to vector<1xi32>
      %squeeze3A_188 = vector.extract %slice3A_187[0] : i32 from vector<1xi32>
      %mul3A_189 = arith.constant 16 : i32
      %mul3A_190 = arith.muli %add3A, %mul3A_189 : i32
      %sub3A_191 = arith.subi %squeeze3A_188, %mul3A_190 : i32
      %get3A_192 = arith.index_cast %sub3A_191 : i32 to index
      %get3A_193 = tpu.vector_load %arg19[%get3A_192] {strides = array<i32>} : memref<32xi32, #tpu.memory_space<vmem>>, vector<16xi32>,
      %slice3A_194 = vector.extract_strided_slice %get3A_193 {offsets = [0], sizes = [1], strides = [1]} : vector<16xi32> to vector<1xi32>
      %squeeze3A_195 = vector.extract %slice3A_194[0] : i32 from vector<1xi32>
      %get3A_196 = arith.index_cast %squeeze3A : i32 to index
      %get3A_197 = tpu.vector_load %arg17[%get3A_196] {strides = array<i32>} : memref<24592xf32, #tpu.memory_space<vmem>>, vector<16xf32>,
      %slice3A_198 = vector.extract_strided_slice %get3A_197 {offsets = [0], sizes = [1], strides = [1]} : vector<16xf32> to vector<1xf32>
      %squeeze3A_199 = vector.extract %slice3A_198[0] : f32 from vector<1xf32>
      %mul3A_200 = arith.constant 1.280000e+02 : f32
      %mul3A_201 = arith.mulf %squeeze3A_199, %mul3A_200 : f32
      %convert_element_type3A = arith.fptosi %mul3A_201 : f32 to i32
      %convert_element_type3A_202 = arith.sitofp %convert_element_type3A : i32 to f32
      %gt3A = arith.cmpf ogt, %convert_element_type3A_202, %mul3A_201 : f32
      %convert_element_type3A_203 = arith.extui %gt3A : i1 to i32
      %sub3A_204 = arith.subi %convert_element_type3A, %convert_element_type3A_203 : i32
      %add3A_205 = arith.constant 8192 : i32
      %add3A_206 = arith.addi %add3A_205, %squeeze3A : i32
      %get3A_207 = arith.index_cast %add3A_206 : i32 to index
      %get3A_208 = tpu.vector_load %arg17[%get3A_207] {strides = array<i32>} : memref<24592xf32, #tpu.memory_space<vmem>>, vector<16xf32>,
      %slice3A_209 = vector.extract_strided_slice %get3A_208 {offsets = [0], sizes = [1], strides = [1]} : vector<16xf32> to vector<1xf32>
      %squeeze3A_210 = vector.extract %slice3A_209[0] : f32 from vector<1xf32>
      %mul3A_211 = arith.constant 1.280000e+02 : f32
      %mul3A_212 = arith.mulf %squeeze3A_210, %mul3A_211 : f32
      %convert_element_type3A_213 = arith.fptosi %mul3A_212 : f32 to i32
      %convert_element_type3A_214 = arith.sitofp %convert_element_type3A_213 : i32 to f32
      %gt3A_215 = arith.cmpf ogt, %convert_element_type3A_214, %mul3A_212 : f32
      %convert_element_type3A_216 = arith.extui %gt3A_215 : i1 to i32
      %sub3A_217 = arith.subi %convert_element_type3A_213, %convert_element_type3A_216 : i32
      %add3A_218 = arith.constant 16384 : i32
      %add3A_219 = arith.addi %add3A_218, %squeeze3A : i32
      %get3A_220 = arith.index_cast %add3A_219 : i32 to index
      %get3A_221 = tpu.vector_load %arg17[%get3A_220] {strides = array<i32>} : memref<24592xf32, #tpu.memory_space<vmem>>, vector<16xf32>,
      %slice3A_222 = vector.extract_strided_slice %get3A_221 {offsets = [0], sizes = [1], strides = [1]} : vector<16xf32> to vector<1xf32>
      %squeeze3A_223 = vector.extract %slice3A_222[0] : f32 from vector<1xf32>
      %mul3A_224 = arith.constant 1.280000e+02 : f32
      %mul3A_225 = arith.mulf %squeeze3A_223, %mul3A_224 : f32
      %convert_element_type3A_226 = arith.fptosi %mul3A_225 : f32 to i32
      %convert_element_type3A_227 = arith.sitofp %convert_element_type3A_226 : i32 to f32
      %gt3A_228 = arith.cmpf ogt, %convert_element_type3A_227, %mul3A_225 : f32
      %convert_element_type3A_229 = arith.extui %gt3A_228 : i1 to i32
      %sub3A_230 = arith.subi %convert_element_type3A_226, %convert_element_type3A_229 : i32
      %broadcast_in_dim3A = arith.constant 0.000000e+00 : f32
      %broadcast_in_dim3A_231 = vector.broadcast %broadcast_in_dim3A : f32 to vector<16xf32>
      %mul3A_232 = arith.constant 32 : i32
      %mul3A_233 = arith.muli %while3A_182, %mul3A_232 : i32
      %swap3A = arith.index_cast %mul3A_233 : i32 to index
      %swap3A_234 = tpu.vector_load %arg22[%swap3A] {strides = array<i32>} : memref<12320xf32, #tpu.memory_space<vmem>>, vector<16xf32>,
      tpu.vector_store %arg22[%swap3A], %broadcast_in_dim3A_231 {strides = array<i32>} : memref<12320xf32, #tpu.memory_space<vmem>>, vector<16xf32>,
      %broadcast_in_dim3A_235 = arith.constant 0.000000e+00 : f32
      %broadcast_in_dim3A_236 = vector.broadcast %broadcast_in_dim3A_235 : f32 to vector<16xf32>
      %mul3A_237 = arith.constant 32 : i32
      %mul3A_238 = arith.muli %while3A_182, %mul3A_237 : i32
      %add3A_239 = arith.constant 16 : i32
      %add3A_240 = arith.addi %mul3A_238, %add3A_239 : i32
      %swap3A_241 = arith.index_cast %add3A_240 : i32 to index
      %swap3A_242 = tpu.vector_load %arg22[%swap3A_241] {strides = array<i32>} : memref<12320xf32, #tpu.memory_space<vmem>>, vector<16xf32>,
      tpu.vector_store %arg22[%swap3A_241], %broadcast_in_dim3A_236 {strides = array<i32>} : memref<12320xf32, #tpu.memory_space<vmem>>, vector<16xf32>,
      %add3A_243 = arith.constant 15 : i32
      %add3A_244 = arith.addi %squeeze3A_195, %add3A_243 : i32
      %jit3A_245 = arith.constant 16 : i32
      %div3A_246 = arith.divsi %add3A_244, %jit3A_245 : i32
      %sign3A_247 = arith.constant 0 : i32
      %sign3A_248 = arith.cmpi sgt, %add3A_244, %sign3A_247 : i32
      %sign3A_249 = arith.extui %sign3A_248 : i1 to i32
      %sign3A_250 = arith.constant 0 : i32
      %sign3A_251 = arith.cmpi slt, %add3A_244, %sign3A_250 : i32
      %sign3A_252 = arith.extui %sign3A_251 : i1 to i32
      %sign3A_253 = arith.subi %sign3A_249, %sign3A_252 : i32
      %sign3A_254 = arith.constant 0 : i32
      %sign3A_255 = arith.cmpi sgt, %jit3A_245, %sign3A_254 : i32
      %sign3A_256 = arith.extui %sign3A_255 : i1 to i32
      %sign3A_257 = arith.constant 0 : i32
      %sign3A_258 = arith.cmpi slt, %jit3A_245, %sign3A_257 : i32
      %sign3A_259 = arith.extui %sign3A_258 : i1 to i32
      %sign3A_260 = arith.subi %sign3A_256, %sign3A_259 : i32
      %ne3A_261 = arith.cmpi ne, %sign3A_253, %sign3A_260 : i32
      %rem3A_262 = arith.remsi %add3A_244, %jit3A_245 : i32
      %ne3A_263 = arith.constant 0 : i32
      %ne3A_264 = arith.cmpi ne, %rem3A_262, %ne3A_263 : i32
      %and3A_265 = arith.andi %ne3A_261, %ne3A_264 : i1
      %sub3A_266 = arith.constant 1 : i32
      %sub3A_267 = arith.subi %div3A_246, %sub3A_266 : i32
      %select_n3A_268 = arith.select %and3A_265, %sub3A_267, %div3A_246 : i32
      %while3A_269 = arith.constant 0 : i32
      %while3A_270 = arith.subi %select_n3A_268, %while3A_269 : i32
      %while3A_271 = arith.addi %while3A_269, %while3A_270 : i32
      %while3A_272 = arith.constant 1 : i32
      %while3A_273 = arith.divsi %while3A_270, %while3A_272 : i32
      %while3A_274 = arith.muli %while3A_273, %while3A_272 : i32
      %while3A_275 = arith.addi %while3A_269, %while3A_274 : i32
      %while3A_276 = arith.constant 1 : i32
      %while3A_277 = scf.for %while3A_280 = %while3A_269 to %while3A_275 step %while3A_276 iter_args(%while3A_281 = %while3A_183) -> (i32)  : i32 {
        %mul3A_282 = arith.constant 80 : i32
        %mul3A_283 = arith.muli %sub3A_191, %mul3A_282 : i32
        %mul3A_284 = arith.constant 16 : i32
        %mul3A_285 = arith.muli %while3A_280, %mul3A_284 : i32
        %add3A_286 = arith.addi %mul3A_283, %mul3A_285 : i32
        %get3A_287 = arith.index_cast %add3A_286 : i32 to index
        %get3A_288 = tpu.vector_load %arg18[%get3A_287] {strides = array<i32>} : memref<1280xi32, #tpu.memory_space<vmem>>, vector<16xi32>,
        %iota3A_289 = tpu.iota {dimensions = array<i32: 0>} : vector<16xi32>
        %mul3A_290 = arith.constant 16 : i32
        %mul3A_291 = arith.muli %while3A_280, %mul3A_290 : i32
        %add3A_292 = vector.broadcast %mul3A_291 : i32 to vector<16xi32>
        %add3A_293 = arith.addi %iota3A_289, %add3A_292 : vector<16xi32>
        %lt3A_294 = vector.broadcast %squeeze3A_195 : i32 to vector<16xi32>
        %lt3A_295 = arith.cmpi slt, %add3A_293, %lt3A_294 : vector<16xi32>
        %jit3A_296 = arith.constant 0 : i32
        %broadcast_in_dim3A_297 = vector.broadcast %jit3A_296 : i32 to vector<16xi32>
        %select_n3A_298 = arith.select %lt3A_295, %get3A_288, %broadcast_in_dim3A_297 : vector<16xi1>, vector<16xi32>
        %gather3A = tpu.vector_load_idx %arg10[%select_n3A_298] : memref<4112xi32, #tpu.memory_space<vmem>>[vector<16xi32>], vector<16xi32>,
        %add3A_299 = arith.constant 1024 : i32
        %add3A_300 = vector.broadcast %add3A_299 : i32 to vector<16xi32>
        %add3A_301 = arith.addi %select_n3A_298, %add3A_300 : vector<16xi32>
        %gather3A_302 = tpu.vector_load_idx %arg10[%add3A_301] : memref<4112xi32, #tpu.memory_space<vmem>>[vector<16xi32>], vector<16xi32>,
        %add3A_303 = arith.constant 2048 : i32
        %add3A_304 = vector.broadcast %add3A_303 : i32 to vector<16xi32>
        %add3A_305 = arith.addi %select_n3A_298, %add3A_304 : vector<16xi32>
        %gather3A_306 = tpu.vector_load_idx %arg10[%add3A_305] : memref<4112xi32, #tpu.memory_space<vmem>>[vector<16xi32>], vector<16xi32>,
        %add3A_307 = arith.constant 3072 : i32
        %add3A_308 = vector.broadcast %add3A_307 : i32 to vector<16xi32>
        %add3A_309 = arith.addi %select_n3A_298, %add3A_308 : vector<16xi32>
        %gather3A_310 = tpu.vector_load_idx %arg10[%add3A_309] : memref<4112xi32, #tpu.memory_space<vmem>>[vector<16xi32>], vector<16xi32>,
        %sub3A_311 = vector.broadcast %sub3A_204 : i32 to vector<16xi32>
        %sub3A_312 = arith.subi %sub3A_311, %gather3A : vector<16xi32>
        %abs3A = math.absi %sub3A_312 : vector<16xi32>
        %le3A = arith.cmpi sle, %abs3A, %gather3A_310 : vector<16xi32>
        %and3A_313 = arith.andi %lt3A_295, %le3A : vector<16xi1>
        %sub3A_314 = vector.broadcast %sub3A_217 : i32 to vector<16xi32>
        %sub3A_315 = arith.subi %sub3A_314, %gather3A_302 : vector<16xi32>
        %abs3A_316 = math.absi %sub3A_315 : vector<16xi32>
        %le3A_317 = arith.cmpi sle, %abs3A_316, %gather3A_310 : vector<16xi32>
        %and3A_318 = arith.andi %and3A_313, %le3A_317 : vector<16xi1>
        %sub3A_319 = vector.broadcast %sub3A_230 : i32 to vector<16xi32>
        %sub3A_320 = arith.subi %sub3A_319, %gather3A_306 : vector<16xi32>
        %abs3A_321 = math.absi %sub3A_320 : vector<16xi32>
        %le3A_322 = arith.cmpi sle, %abs3A_321, %gather3A_310 : vector<16xi32>
        %and3A_323 = arith.andi %and3A_318, %le3A_322 : vector<16xi1>
        %convert_element_type3A_324 = arith.extui %and3A_323 : vector<16xi1> to vector<16xi32>
        %broadcast_in_dim3A_325 = arith.constant true
        %broadcast_in_dim3A_326 = vector.broadcast %broadcast_in_dim3A_325 : i1 to vector<16xi1>
        %masked_cumsum3A = tpu.scan <sum>, %convert_element_type3A_324 masked %broadcast_in_dim3A_326 : vector<16xi32>, vector<16xi1> -> vector<16xi32>
        %sub3A_327 = arith.subi %masked_cumsum3A, %convert_element_type3A_324 : vector<16xi32>
        %add3A_328 = vector.broadcast %while3A_281 : i32 to vector<16xi32>
        %add3A_329 = arith.addi %sub3A_327, %add3A_328 : vector<16xi32>
        tpu.vector_store_idx %arg24[%add3A_329], %select_n3A_298 masked %and3A_323 : memref<352xi32, #tpu.memory_space<vmem>>[vector<16xi32>], vector<16xi32>, vector<16xi1>
        %broadcast_in_dim3A_330 = vector.broadcast %while3A_182 : i32 to vector<16xi32>
        tpu.vector_store_idx %arg25[%add3A_329], %broadcast_in_dim3A_330 masked %and3A_323 : memref<352xi32, #tpu.memory_space<vmem>>[vector<16xi32>], vector<16xi32>, vector<16xi1>
        %reduce_sum3A = arith.constant true
        %reduce_sum3A_331 = vector.broadcast %reduce_sum3A : i1 to vector<16xi1>
        %reduce_sum3A_332 = tpu.scan <sum>, %convert_element_type3A_324 masked %reduce_sum3A_331 : vector<16xi32>, vector<16xi1> -> vector<16xi32>
        %reduce_sum3A_333 = vector.extract %reduce_sum3A_332[15] : i32 from vector<16xi32>
        %add3A_334 = arith.addi %while3A_281, %reduce_sum3A_333 : i32
        %min3A = arith.constant 320 : i32
        %min3A_335 = arith.minsi %add3A_334, %min3A : i32
        scf.yield %min3A_335 : i32
      }
      %while3A_278 = arith.constant 1 : i32
      %while3A_279 = scf.for %while3A_280 = %while3A_275 to %while3A_271 step %while3A_278 iter_args(%while3A_281 = %while3A_277) -> (i32)  : i32 {
        %mul3A_282 = arith.constant 80 : i32
        %mul3A_283 = arith.muli %sub3A_191, %mul3A_282 : i32
        %mul3A_284 = arith.constant 16 : i32
        %mul3A_285 = arith.muli %while3A_280, %mul3A_284 : i32
        %add3A_286 = arith.addi %mul3A_283, %mul3A_285 : i32
        %get3A_287 = arith.index_cast %add3A_286 : i32 to index
        %get3A_288 = tpu.vector_load %arg18[%get3A_287] {strides = array<i32>} : memref<1280xi32, #tpu.memory_space<vmem>>, vector<16xi32>,
        %iota3A_289 = tpu.iota {dimensions = array<i32: 0>} : vector<16xi32>
        %mul3A_290 = arith.constant 16 : i32
        %mul3A_291 = arith.muli %while3A_280, %mul3A_290 : i32
        %add3A_292 = vector.broadcast %mul3A_291 : i32 to vector<16xi32>
        %add3A_293 = arith.addi %iota3A_289, %add3A_292 : vector<16xi32>
        %lt3A_294 = vector.broadcast %squeeze3A_195 : i32 to vector<16xi32>
        %lt3A_295 = arith.cmpi slt, %add3A_293, %lt3A_294 : vector<16xi32>
        %jit3A_296 = arith.constant 0 : i32
        %broadcast_in_dim3A_297 = vector.broadcast %jit3A_296 : i32 to vector<16xi32>
        %select_n3A_298 = arith.select %lt3A_295, %get3A_288, %broadcast_in_dim3A_297 : vector<16xi1>, vector<16xi32>
        %gather3A = tpu.vector_load_idx %arg10[%select_n3A_298] : memref<4112xi32, #tpu.memory_space<vmem>>[vector<16xi32>], vector<16xi32>,
        %add3A_299 = arith.constant 1024 : i32
        %add3A_300 = vector.broadcast %add3A_299 : i32 to vector<16xi32>
        %add3A_301 = arith.addi %select_n3A_298, %add3A_300 : vector<16xi32>
        %gather3A_302 = tpu.vector_load_idx %arg10[%add3A_301] : memref<4112xi32, #tpu.memory_space<vmem>>[vector<16xi32>], vector<16xi32>,
        %add3A_303 = arith.constant 2048 : i32
        %add3A_304 = vector.broadcast %add3A_303 : i32 to vector<16xi32>
        %add3A_305 = arith.addi %select_n3A_298, %add3A_304 : vector<16xi32>
        %gather3A_306 = tpu.vector_load_idx %arg10[%add3A_305] : memref<4112xi32, #tpu.memory_space<vmem>>[vector<16xi32>], vector<16xi32>,
        %add3A_307 = arith.constant 3072 : i32
        %add3A_308 = vector.broadcast %add3A_307 : i32 to vector<16xi32>
        %add3A_309 = arith.addi %select_n3A_298, %add3A_308 : vector<16xi32>
        %gather3A_310 = tpu.vector_load_idx %arg10[%add3A_309] : memref<4112xi32, #tpu.memory_space<vmem>>[vector<16xi32>], vector<16xi32>,
        %sub3A_311 = vector.broadcast %sub3A_204 : i32 to vector<16xi32>
        %sub3A_312 = arith.subi %sub3A_311, %gather3A : vector<16xi32>
        %abs3A = math.absi %sub3A_312 : vector<16xi32>
        %le3A = arith.cmpi sle, %abs3A, %gather3A_310 : vector<16xi32>
        %and3A_313 = arith.andi %lt3A_295, %le3A : vector<16xi1>
        %sub3A_314 = vector.broadcast %sub3A_217 : i32 to vector<16xi32>
        %sub3A_315 = arith.subi %sub3A_314, %gather3A_302 : vector<16xi32>
        %abs3A_316 = math.absi %sub3A_315 : vector<16xi32>
        %le3A_317 = arith.cmpi sle, %abs3A_316, %gather3A_310 : vector<16xi32>
        %and3A_318 = arith.andi %and3A_313, %le3A_317 : vector<16xi1>
        %sub3A_319 = vector.broadcast %sub3A_230 : i32 to vector<16xi32>
        %sub3A_320 = arith.subi %sub3A_319, %gather3A_306 : vector<16xi32>
        %abs3A_321 = math.absi %sub3A_320 : vector<16xi32>
        %le3A_322 = arith.cmpi sle, %abs3A_321, %gather3A_310 : vector<16xi32>
        %and3A_323 = arith.andi %and3A_318, %le3A_322 : vector<16xi1>
        %convert_element_type3A_324 = arith.extui %and3A_323 : vector<16xi1> to vector<16xi32>
        %broadcast_in_dim3A_325 = arith.constant true
        %broadcast_in_dim3A_326 = vector.broadcast %broadcast_in_dim3A_325 : i1 to vector<16xi1>
        %masked_cumsum3A = tpu.scan <sum>, %convert_element_type3A_324 masked %broadcast_in_dim3A_326 : vector<16xi32>, vector<16xi1> -> vector<16xi32>
        %sub3A_327 = arith.subi %masked_cumsum3A, %convert_element_type3A_324 : vector<16xi32>
        %add3A_328 = vector.broadcast %while3A_281 : i32 to vector<16xi32>
        %add3A_329 = arith.addi %sub3A_327, %add3A_328 : vector<16xi32>
        tpu.vector_store_idx %arg24[%add3A_329], %select_n3A_298 masked %and3A_323 : memref<352xi32, #tpu.memory_space<vmem>>[vector<16xi32>], vector<16xi32>, vector<16xi1>
        %broadcast_in_dim3A_330 = vector.broadcast %while3A_182 : i32 to vector<16xi32>
        tpu.vector_store_idx %arg25[%add3A_329], %broadcast_in_dim3A_330 masked %and3A_323 : memref<352xi32, #tpu.memory_space<vmem>>[vector<16xi32>], vector<16xi32>, vector<16xi1>
        %reduce_sum3A = arith.constant true
        %reduce_sum3A_331 = vector.broadcast %reduce_sum3A : i1 to vector<16xi1>
        %reduce_sum3A_332 = tpu.scan <sum>, %convert_element_type3A_324 masked %reduce_sum3A_331 : vector<16xi32>, vector<16xi1> -> vector<16xi32>
        %reduce_sum3A_333 = vector.extract %reduce_sum3A_332[15] : i32 from vector<16xi32>
        %add3A_334 = arith.addi %while3A_281, %reduce_sum3A_333 : i32
        %min3A = arith.constant 320 : i32
        %min3A_335 = arith.minsi %add3A_334, %min3A : i32
        scf.yield %min3A_335 : i32
      }
      scf.yield %while3A_279 : i32
    }
    %add3A_113 = arith.constant 15 : i32
    %add3A_114 = arith.addi %while3A_112, %add3A_113 : i32
    %jit3A_115 = arith.constant 16 : i32
    %div3A_116 = arith.divsi %add3A_114, %jit3A_115 : i32
    %sign3A_117 = arith.constant 0 : i32
    %sign3A_118 = arith.cmpi sgt, %add3A_114, %sign3A_117 : i32
    %sign3A_119 = arith.extui %sign3A_118 : i1 to i32
    %sign3A_120 = arith.constant 0 : i32
    %sign3A_121 = arith.cmpi slt, %add3A_114, %sign3A_120 : i32
    %sign3A_122 = arith.extui %sign3A_121 : i1 to i32
    %sign3A_123 = arith.subi %sign3A_119, %sign3A_122 : i32
    %sign3A_124 = arith.constant 0 : i32
    %sign3A_125 = arith.cmpi sgt, %jit3A_115, %sign3A_124 : i32
    %sign3A_126 = arith.extui %sign3A_125 : i1 to i32
    %sign3A_127 = arith.constant 0 : i32
    %sign3A_128 = arith.cmpi slt, %jit3A_115, %sign3A_127 : i32
    %sign3A_129 = arith.extui %sign3A_128 : i1 to i32
    %sign3A_130 = arith.subi %sign3A_126, %sign3A_129 : i32
    %ne3A_131 = arith.cmpi ne, %sign3A_123, %sign3A_130 : i32
    %rem3A_132 = arith.remsi %add3A_114, %jit3A_115 : i32
    %ne3A_133 = arith.constant 0 : i32
    %ne3A_134 = arith.cmpi ne, %rem3A_132, %ne3A_133 : i32
    %and3A_135 = arith.andi %ne3A_131, %ne3A_134 : i1
    %sub3A_136 = arith.constant 1 : i32
    %sub3A_137 = arith.subi %div3A_116, %sub3A_136 : i32
    %select_n3A_138 = arith.select %and3A_135, %sub3A_137, %div3A_116 : i32
    %while3A_139 = arith.constant 0 : i32
    %while3A_140 = arith.constant 0 : i32
    %while3A_141 = arith.subi %select_n3A_138, %while3A_140 : i32
    %while3A_142 = arith.addi %while3A_140, %while3A_141 : i32
    %while3A_143 = arith.constant 1 : i32
    %while3A_144 = arith.divsi %while3A_141, %while3A_143 : i32
    %while3A_145 = arith.muli %while3A_144, %while3A_143 : i32
    %while3A_146 = arith.addi %while3A_140, %while3A_145 : i32
    %while3A_147 = arith.constant 1 : i32
    scf.for %while3A_182 = %while3A_140 to %while3A_146 step %while3A_147  : i32 {
      %iota3A_183 = tpu.iota {dimensions = array<i32: 0>} : vector<16xi32>
      %mul3A_184 = arith.constant 16 : i32
      %mul3A_185 = arith.muli %while3A_182, %mul3A_184 : i32
      %add3A_186 = vector.broadcast %mul3A_185 : i32 to vector<16xi32>
      %add3A_187 = arith.addi %iota3A_183, %add3A_186 : vector<16xi32>
      %lt3A_188 = vector.broadcast %while3A_112 : i32 to vector<16xi32>
      %lt3A_189 = arith.cmpi slt, %add3A_187, %lt3A_188 : vector<16xi32>
      %mul3A_190 = arith.constant 16 : i32
      %mul3A_191 = arith.muli %while3A_182, %mul3A_190 : i32
      %get3A = arith.index_cast %mul3A_191 : i32 to index
      %get3A_192 = tpu.vector_load %arg24[%get3A] {strides = array<i32>} : memref<352xi32, #tpu.memory_space<vmem>>, vector<16xi32>,
      %jit3A_193 = arith.constant 0 : i32
      %broadcast_in_dim3A = vector.broadcast %jit3A_193 : i32 to vector<16xi32>
      %select_n3A_194 = arith.select %lt3A_189, %get3A_192, %broadcast_in_dim3A : vector<16xi1>, vector<16xi32>
      %mul3A_195 = arith.constant 16 : i32
      %mul3A_196 = arith.muli %while3A_182, %mul3A_195 : i32
      %get3A_197 = arith.index_cast %mul3A_196 : i32 to index
      %get3A_198 = tpu.vector_load %arg25[%get3A_197] {strides = array<i32>} : memref<352xi32, #tpu.memory_space<vmem>>, vector<16xi32>,
      %jit3A_199 = arith.constant 0 : i32
      %broadcast_in_dim3A_200 = vector.broadcast %jit3A_199 : i32 to vector<16xi32>
      %select_n3A_201 = arith.select %lt3A_189, %get3A_198, %broadcast_in_dim3A_200 : vector<16xi1>, vector<16xi32>
      %gather3A = tpu.vector_load_idx %arg20[%select_n3A_201] : memref<416xi32, #tpu.memory_space<vmem>>[vector<16xi32>], vector<16xi32>,
      %gather3A_202 = tpu.vector_load_idx %arg17[%gather3A] : memref<24592xf32, #tpu.memory_space<vmem>>[vector<16xi32>], vector<16xf32>,
      %add3A_203 = arith.constant 8192 : i32
      %add3A_204 = vector.broadcast %add3A_203 : i32 to vector<16xi32>
      %add3A_205 = arith.addi %gather3A, %add3A_204 : vector<16xi32>
      %gather3A_206 = tpu.vector_load_idx %arg17[%add3A_205] : memref<24592xf32, #tpu.memory_space<vmem>>[vector<16xi32>], vector<16xf32>,
      %add3A_207 = arith.constant 16384 : i32
      %add3A_208 = vector.broadcast %add3A_207 : i32 to vector<16xi32>
      %add3A_209 = arith.addi %gather3A, %add3A_208 : vector<16xi32>
      %gather3A_210 = tpu.vector_load_idx %arg17[%add3A_209] : memref<24592xf32, #tpu.memory_space<vmem>>[vector<16xi32>], vector<16xf32>,
      %gather3A_211 = tpu.vector_load_idx %arg9[%select_n3A_194] : memref<10240xf32, #tpu.memory_space<vmem>>[vector<16xi32>], vector<16xf32>,
      %add3A_212 = arith.constant 1024 : i32
      %add3A_213 = vector.broadcast %add3A_212 : i32 to vector<16xi32>
      %add3A_214 = arith.addi %select_n3A_194, %add3A_213 : vector<16xi32>
      %gather3A_215 = tpu.vector_load_idx %arg9[%add3A_214] : memref<10240xf32, #tpu.memory_space<vmem>>[vector<16xi32>], vector<16xf32>,
      %add3A_216 = arith.constant 2048 : i32
      %add3A_217 = vector.broadcast %add3A_216 : i32 to vector<16xi32>
      %add3A_218 = arith.addi %select_n3A_194, %add3A_217 : vector<16xi32>
      %gather3A_219 = tpu.vector_load_idx %arg9[%add3A_218] : memref<10240xf32, #tpu.memory_space<vmem>>[vector<16xi32>], vector<16xf32>,
      %add3A_220 = arith.constant 3072 : i32
      %add3A_221 = vector.broadcast %add3A_220 : i32 to vector<16xi32>
      %add3A_222 = arith.addi %select_n3A_194, %add3A_221 : vector<16xi32>
      %gather3A_223 = tpu.vector_load_idx %arg9[%add3A_222] : memref<10240xf32, #tpu.memory_space<vmem>>[vector<16xi32>], vector<16xf32>,
      %add3A_224 = arith.constant 4096 : i32
      %add3A_225 = vector.broadcast %add3A_224 : i32 to vector<16xi32>
      %add3A_226 = arith.addi %select_n3A_194, %add3A_225 : vector<16xi32>
      %gather3A_227 = tpu.vector_load_idx %arg9[%add3A_226] : memref<10240xf32, #tpu.memory_space<vmem>>[vector<16xi32>], vector<16xf32>,
      %add3A_228 = arith.constant 5120 : i32
      %add3A_229 = vector.broadcast %add3A_228 : i32 to vector<16xi32>
      %add3A_230 = arith.addi %select_n3A_194, %add3A_229 : vector<16xi32>
      %gather3A_231 = tpu.vector_load_idx %arg9[%add3A_230] : memref<10240xf32, #tpu.memory_space<vmem>>[vector<16xi32>], vector<16xf32>,
      %add3A_232 = arith.constant 6144 : i32
      %add3A_233 = vector.broadcast %add3A_232 : i32 to vector<16xi32>
      %add3A_234 = arith.addi %select_n3A_194, %add3A_233 : vector<16xi32>
      %gather3A_235 = tpu.vector_load_idx %arg9[%add3A_234] : memref<10240xf32, #tpu.memory_space<vmem>>[vector<16xi32>], vector<16xf32>,
      %add3A_236 = arith.constant 7168 : i32
      %add3A_237 = vector.broadcast %add3A_236 : i32 to vector<16xi32>
      %add3A_238 = arith.addi %select_n3A_194, %add3A_237 : vector<16xi32>
      %gather3A_239 = tpu.vector_load_idx %arg9[%add3A_238] : memref<10240xf32, #tpu.memory_space<vmem>>[vector<16xi32>], vector<16xf32>,
      %add3A_240 = arith.constant 8192 : i32
      %add3A_241 = vector.broadcast %add3A_240 : i32 to vector<16xi32>
      %add3A_242 = arith.addi %select_n3A_194, %add3A_241 : vector<16xi32>
      %gather3A_243 = tpu.vector_load_idx %arg9[%add3A_242] : memref<10240xf32, #tpu.memory_space<vmem>>[vector<16xi32>], vector<16xf32>,
      %add3A_244 = arith.constant 9216 : i32
      %add3A_245 = vector.broadcast %add3A_244 : i32 to vector<16xi32>
      %add3A_246 = arith.addi %select_n3A_194, %add3A_245 : vector<16xi32>
      %gather3A_247 = tpu.vector_load_idx %arg9[%add3A_246] : memref<10240xf32, #tpu.memory_space<vmem>>[vector<16xi32>], vector<16xf32>,
      %sub3A_248 = arith.subf %gather3A_202, %gather3A_211 : vector<16xf32>
      %sub3A_249 = arith.subf %gather3A_206, %gather3A_215 : vector<16xf32>
      %sub3A_250 = arith.subf %gather3A_210, %gather3A_219 : vector<16xf32>
      %mul3A_251 = arith.mulf %gather3A_223, %sub3A_248 : vector<16xf32>
      %mul3A_252 = arith.mulf %mul3A_251, %sub3A_248 : vector<16xf32>
      %mul3A_253 = arith.mulf %gather3A_227, %sub3A_249 : vector<16xf32>
      %mul3A_254 = arith.mulf %mul3A_253, %sub3A_249 : vector<16xf32>
      %add3A_255 = arith.addf %mul3A_252, %mul3A_254 : vector<16xf32>
      %mul3A_256 = arith.mulf %gather3A_231, %sub3A_250 : vector<16xf32>
      %mul3A_257 = arith.mulf %mul3A_256, %sub3A_250 : vector<16xf32>
      %add3A_258 = arith.addf %add3A_255, %mul3A_257 : vector<16xf32>
      %mul3A_259 = arith.constant -5.000000e-01 : f32
      %mul3A_260 = vector.broadcast %mul3A_259 : f32 to vector<16xf32>
      %mul3A_261 = arith.mulf %mul3A_260, %add3A_258 : vector<16xf32>
      %mul3A_262 = arith.mulf %gather3A_235, %sub3A_248 : vector<16xf32>
      %mul3A_263 = arith.mulf %mul3A_262, %sub3A_249 : vector<16xf32>
      %sub3A_264 = arith.subf %mul3A_261, %mul3A_263 : vector<16xf32>
      %mul3A_265 = arith.mulf %gather3A_239, %sub3A_249 : vector<16xf32>
      %mul3A_266 = arith.mulf %mul3A_265, %sub3A_250 : vector<16xf32>
      %sub3A_267 = arith.subf %sub3A_264, %mul3A_266 : vector<16xf32>
      %mul3A_268 = arith.mulf %gather3A_243, %sub3A_248 : vector<16xf32>
      %mul3A_269 = arith.mulf %mul3A_268, %sub3A_250 : vector<16xf32>
      %sub3A_270 = arith.subf %sub3A_267, %mul3A_269 : vector<16xf32>
      %exp3A = math.exp %sub3A_270 : vector<16xf32>
      %mul3A_271 = arith.mulf %gather3A_247, %exp3A : vector<16xf32>
      %mul3A_272 = arith.constant 16 : i32
      %mul3A_273 = arith.muli %while3A_182, %mul3A_272 : i32
      %swap3A = arith.index_cast %mul3A_273 : i32 to index
      %swap3A_274 = tpu.vector_load %arg23[%swap3A] {strides = array<i32>} : memref<352xf32, #tpu.memory_space<vmem>>, vector<16xf32>,
      tpu.vector_store %arg23[%swap3A], %mul3A_271 {strides = array<i32>} : memref<352xf32, #tpu.memory_space<vmem>>, vector<16xf32>,
    }
    %while3A_148 = arith.constant 1 : i32
    scf.for %while3A_182 = %while3A_146 to %while3A_142 step %while3A_148  : i32 {
      %iota3A_183 = tpu.iota {dimensions = array<i32: 0>} : vector<16xi32>
      %mul3A_184 = arith.constant 16 : i32
      %mul3A_185 = arith.muli %while3A_182, %mul3A_184 : i32
      %add3A_186 = vector.broadcast %mul3A_185 : i32 to vector<16xi32>
      %add3A_187 = arith.addi %iota3A_183, %add3A_186 : vector<16xi32>
      %lt3A_188 = vector.broadcast %while3A_112 : i32 to vector<16xi32>
      %lt3A_189 = arith.cmpi slt, %add3A_187, %lt3A_188 : vector<16xi32>
      %mul3A_190 = arith.constant 16 : i32
      %mul3A_191 = arith.muli %while3A_182, %mul3A_190 : i32
      %get3A = arith.index_cast %mul3A_191 : i32 to index
      %get3A_192 = tpu.vector_load %arg24[%get3A] {strides = array<i32>} : memref<352xi32, #tpu.memory_space<vmem>>, vector<16xi32>,
      %jit3A_193 = arith.constant 0 : i32
      %broadcast_in_dim3A = vector.broadcast %jit3A_193 : i32 to vector<16xi32>
      %select_n3A_194 = arith.select %lt3A_189, %get3A_192, %broadcast_in_dim3A : vector<16xi1>, vector<16xi32>
      %mul3A_195 = arith.constant 16 : i32
      %mul3A_196 = arith.muli %while3A_182, %mul3A_195 : i32
      %get3A_197 = arith.index_cast %mul3A_196 : i32 to index
      %get3A_198 = tpu.vector_load %arg25[%get3A_197] {strides = array<i32>} : memref<352xi32, #tpu.memory_space<vmem>>, vector<16xi32>,
      %jit3A_199 = arith.constant 0 : i32
      %broadcast_in_dim3A_200 = vector.broadcast %jit3A_199 : i32 to vector<16xi32>
      %select_n3A_201 = arith.select %lt3A_189, %get3A_198, %broadcast_in_dim3A_200 : vector<16xi1>, vector<16xi32>
      %gather3A = tpu.vector_load_idx %arg20[%select_n3A_201] : memref<416xi32, #tpu.memory_space<vmem>>[vector<16xi32>], vector<16xi32>,
      %gather3A_202 = tpu.vector_load_idx %arg17[%gather3A] : memref<24592xf32, #tpu.memory_space<vmem>>[vector<16xi32>], vector<16xf32>,
      %add3A_203 = arith.constant 8192 : i32
      %add3A_204 = vector.broadcast %add3A_203 : i32 to vector<16xi32>
      %add3A_205 = arith.addi %gather3A, %add3A_204 : vector<16xi32>
      %gather3A_206 = tpu.vector_load_idx %arg17[%add3A_205] : memref<24592xf32, #tpu.memory_space<vmem>>[vector<16xi32>], vector<16xf32>,
      %add3A_207 = arith.constant 16384 : i32
      %add3A_208 = vector.broadcast %add3A_207 : i32 to vector<16xi32>
      %add3A_209 = arith.addi %gather3A, %add3A_208 : vector<16xi32>
      %gather3A_210 = tpu.vector_load_idx %arg17[%add3A_209] : memref<24592xf32, #tpu.memory_space<vmem>>[vector<16xi32>], vector<16xf32>,
      %gather3A_211 = tpu.vector_load_idx %arg9[%select_n3A_194] : memref<10240xf32, #tpu.memory_space<vmem>>[vector<16xi32>], vector<16xf32>,
      %add3A_212 = arith.constant 1024 : i32
      %add3A_213 = vector.broadcast %add3A_212 : i32 to vector<16xi32>
      %add3A_214 = arith.addi %select_n3A_194, %add3A_213 : vector<16xi32>
      %gather3A_215 = tpu.vector_load_idx %arg9[%add3A_214] : memref<10240xf32, #tpu.memory_space<vmem>>[vector<16xi32>], vector<16xf32>,
      %add3A_216 = arith.constant 2048 : i32
      %add3A_217 = vector.broadcast %add3A_216 : i32 to vector<16xi32>
      %add3A_218 = arith.addi %select_n3A_194, %add3A_217 : vector<16xi32>
      %gather3A_219 = tpu.vector_load_idx %arg9[%add3A_218] : memref<10240xf32, #tpu.memory_space<vmem>>[vector<16xi32>], vector<16xf32>,
      %add3A_220 = arith.constant 3072 : i32
      %add3A_221 = vector.broadcast %add3A_220 : i32 to vector<16xi32>
      %add3A_222 = arith.addi %select_n3A_194, %add3A_221 : vector<16xi32>
      %gather3A_223 = tpu.vector_load_idx %arg9[%add3A_222] : memref<10240xf32, #tpu.memory_space<vmem>>[vector<16xi32>], vector<16xf32>,
      %add3A_224 = arith.constant 4096 : i32
      %add3A_225 = vector.broadcast %add3A_224 : i32 to vector<16xi32>
      %add3A_226 = arith.addi %select_n3A_194, %add3A_225 : vector<16xi32>
      %gather3A_227 = tpu.vector_load_idx %arg9[%add3A_226] : memref<10240xf32, #tpu.memory_space<vmem>>[vector<16xi32>], vector<16xf32>,
      %add3A_228 = arith.constant 5120 : i32
      %add3A_229 = vector.broadcast %add3A_228 : i32 to vector<16xi32>
      %add3A_230 = arith.addi %select_n3A_194, %add3A_229 : vector<16xi32>
      %gather3A_231 = tpu.vector_load_idx %arg9[%add3A_230] : memref<10240xf32, #tpu.memory_space<vmem>>[vector<16xi32>], vector<16xf32>,
      %add3A_232 = arith.constant 6144 : i32
      %add3A_233 = vector.broadcast %add3A_232 : i32 to vector<16xi32>
      %add3A_234 = arith.addi %select_n3A_194, %add3A_233 : vector<16xi32>
      %gather3A_235 = tpu.vector_load_idx %arg9[%add3A_234] : memref<10240xf32, #tpu.memory_space<vmem>>[vector<16xi32>], vector<16xf32>,
      %add3A_236 = arith.constant 7168 : i32
      %add3A_237 = vector.broadcast %add3A_236 : i32 to vector<16xi32>
      %add3A_238 = arith.addi %select_n3A_194, %add3A_237 : vector<16xi32>
      %gather3A_239 = tpu.vector_load_idx %arg9[%add3A_238] : memref<10240xf32, #tpu.memory_space<vmem>>[vector<16xi32>], vector<16xf32>,
      %add3A_240 = arith.constant 8192 : i32
      %add3A_241 = vector.broadcast %add3A_240 : i32 to vector<16xi32>
      %add3A_242 = arith.addi %select_n3A_194, %add3A_241 : vector<16xi32>
      %gather3A_243 = tpu.vector_load_idx %arg9[%add3A_242] : memref<10240xf32, #tpu.memory_space<vmem>>[vector<16xi32>], vector<16xf32>,
      %add3A_244 = arith.constant 9216 : i32
      %add3A_245 = vector.broadcast %add3A_244 : i32 to vector<16xi32>
      %add3A_246 = arith.addi %select_n3A_194, %add3A_245 : vector<16xi32>
      %gather3A_247 = tpu.vector_load_idx %arg9[%add3A_246] : memref<10240xf32, #tpu.memory_space<vmem>>[vector<16xi32>], vector<16xf32>,
      %sub3A_248 = arith.subf %gather3A_202, %gather3A_211 : vector<16xf32>
      %sub3A_249 = arith.subf %gather3A_206, %gather3A_215 : vector<16xf32>
      %sub3A_250 = arith.subf %gather3A_210, %gather3A_219 : vector<16xf32>
      %mul3A_251 = arith.mulf %gather3A_223, %sub3A_248 : vector<16xf32>
      %mul3A_252 = arith.mulf %mul3A_251, %sub3A_248 : vector<16xf32>
      %mul3A_253 = arith.mulf %gather3A_227, %sub3A_249 : vector<16xf32>
      %mul3A_254 = arith.mulf %mul3A_253, %sub3A_249 : vector<16xf32>
      %add3A_255 = arith.addf %mul3A_252, %mul3A_254 : vector<16xf32>
      %mul3A_256 = arith.mulf %gather3A_231, %sub3A_250 : vector<16xf32>
      %mul3A_257 = arith.mulf %mul3A_256, %sub3A_250 : vector<16xf32>
      %add3A_258 = arith.addf %add3A_255, %mul3A_257 : vector<16xf32>
      %mul3A_259 = arith.constant -5.000000e-01 : f32
      %mul3A_260 = vector.broadcast %mul3A_259 : f32 to vector<16xf32>
      %mul3A_261 = arith.mulf %mul3A_260, %add3A_258 : vector<16xf32>
      %mul3A_262 = arith.mulf %gather3A_235, %sub3A_248 : vector<16xf32>
      %mul3A_263 = arith.mulf %mul3A_262, %sub3A_249 : vector<16xf32>
      %sub3A_264 = arith.subf %mul3A_261, %mul3A_263 : vector<16xf32>
      %mul3A_265 = arith.mulf %gather3A_239, %sub3A_249 : vector<16xf32>
      %mul3A_266 = arith.mulf %mul3A_265, %sub3A_250 : vector<16xf32>
      %sub3A_267 = arith.subf %sub3A_264, %mul3A_266 : vector<16xf32>
      %mul3A_268 = arith.mulf %gather3A_243, %sub3A_248 : vector<16xf32>
      %mul3A_269 = arith.mulf %mul3A_268, %sub3A_250 : vector<16xf32>
      %sub3A_270 = arith.subf %sub3A_267, %mul3A_269 : vector<16xf32>
      %exp3A = math.exp %sub3A_270 : vector<16xf32>
      %mul3A_271 = arith.mulf %gather3A_247, %exp3A : vector<16xf32>
      %mul3A_272 = arith.constant 16 : i32
      %mul3A_273 = arith.muli %while3A_182, %mul3A_272 : i32
      %swap3A = arith.index_cast %mul3A_273 : i32 to index
      %swap3A_274 = tpu.vector_load %arg23[%swap3A] {strides = array<i32>} : memref<352xf32, #tpu.memory_space<vmem>>, vector<16xf32>,
      tpu.vector_store %arg23[%swap3A], %mul3A_271 {strides = array<i32>} : memref<352xf32, #tpu.memory_space<vmem>>, vector<16xf32>,
    }
    %iota3A = tpu.iota {dimensions = array<i32: 0>} : vector<16xi32>
    %lt3A_149 = arith.constant 8 : i32
    %lt3A_150 = vector.broadcast %lt3A_149 : i32 to vector<16xi32>
    %lt3A_151 = arith.cmpi slt, %iota3A, %lt3A_150 : vector<16xi32>
    %while3A_152 = arith.constant 0 : i32
    %while3A_153 = arith.constant 0 : i32
    %while3A_154 = arith.subi %while3A_112, %while3A_153 : i32
    %while3A_155 = arith.addi %while3A_153, %while3A_154 : i32
    %while3A_156 = arith.constant 1 : i32
    %while3A_157 = arith.divsi %while3A_154, %while3A_156 : i32
    %while3A_158 = arith.muli %while3A_157, %while3A_156 : i32
    %while3A_159 = arith.addi %while3A_153, %while3A_158 : i32
    %while3A_160 = arith.constant 1 : i32
    scf.for %while3A_182 = %while3A_153 to %while3A_159 step %while3A_160  : i32 {
      %get3A = arith.index_cast %while3A_182 : i32 to index
      %get3A_183 = tpu.vector_load %arg23[%get3A] {strides = array<i32>} : memref<352xf32, #tpu.memory_space<vmem>>, vector<16xf32>,
      %slice3A = vector.extract_strided_slice %get3A_183 {offsets = [0], sizes = [1], strides = [1]} : vector<16xf32> to vector<1xf32>
      %squeeze3A = vector.extract %slice3A[0] : f32 from vector<1xf32>
      %get3A_184 = arith.index_cast %while3A_182 : i32 to index
      %get3A_185 = tpu.vector_load %arg24[%get3A_184] {strides = array<i32>} : memref<352xi32, #tpu.memory_space<vmem>>, vector<16xi32>,
      %slice3A_186 = vector.extract_strided_slice %get3A_185 {offsets = [0], sizes = [1], strides = [1]} : vector<16xi32> to vector<1xi32>
      %squeeze3A_187 = vector.extract %slice3A_186[0] : i32 from vector<1xi32>
      %get3A_188 = arith.index_cast %while3A_182 : i32 to index
      %get3A_189 = tpu.vector_load %arg25[%get3A_188] {strides = array<i32>} : memref<352xi32, #tpu.memory_space<vmem>>, vector<16xi32>,
      %slice3A_190 = vector.extract_strided_slice %get3A_189 {offsets = [0], sizes = [1], strides = [1]} : vector<16xi32> to vector<1xi32>
      %squeeze3A_191 = vector.extract %slice3A_190[0] : i32 from vector<1xi32>
      %mul3A_192 = arith.constant 32 : i32
      %mul3A_193 = arith.muli %squeeze3A_191, %mul3A_192 : i32
      %get3A_194 = arith.index_cast %mul3A_193 : i32 to index
      %get3A_195 = tpu.vector_load %arg22[%get3A_194] {strides = array<i32>} : memref<12320xf32, #tpu.memory_space<vmem>>, vector<16xf32>,
      %mul3A_196 = arith.constant 16 : i32
      %mul3A_197 = arith.muli %squeeze3A_187, %mul3A_196 : i32
      %get3A_198 = arith.index_cast %mul3A_197 : i32 to index
      %get3A_199 = tpu.vector_load %arg11[%get3A_198] {strides = array<i32>} : memref<16384xf32, #tpu.memory_space<vmem>>, vector<16xf32>,
      %mul3A_200 = vector.broadcast %squeeze3A : f32 to vector<16xf32>
      %mul3A_201 = arith.mulf %mul3A_200, %get3A_199 : vector<16xf32>
      %add3A_202 = arith.addf %get3A_195, %mul3A_201 : vector<16xf32>
      %mul3A_203 = arith.constant 32 : i32
      %mul3A_204 = arith.muli %squeeze3A_191, %mul3A_203 : i32
      %swap3A = arith.index_cast %mul3A_204 : i32 to index
      %swap3A_205 = tpu.vector_load %arg22[%swap3A] {strides = array<i32>} : memref<12320xf32, #tpu.memory_space<vmem>>, vector<16xf32>,
      tpu.vector_store %arg22[%swap3A], %add3A_202 {strides = array<i32>} : memref<12320xf32, #tpu.memory_space<vmem>>, vector<16xf32>,
      %mul3A_206 = arith.constant 32 : i32
      %mul3A_207 = arith.muli %squeeze3A_191, %mul3A_206 : i32
      %add3A_208 = arith.constant 16 : i32
      %add3A_209 = arith.addi %mul3A_207, %add3A_208 : i32
      %get3A_210 = arith.index_cast %add3A_209 : i32 to index
      %get3A_211 = tpu.vector_load %arg22[%get3A_210] {strides = array<i32>} : memref<12320xf32, #tpu.memory_space<vmem>>, vector<16xf32>,
      %mul3A_212 = arith.constant 8 : i32
      %mul3A_213 = arith.muli %squeeze3A_187, %mul3A_212 : i32
      %get3A_214 = arith.index_cast %mul3A_213 : i32 to index
      %get3A_215 = tpu.vector_load %arg12[%get3A_214] {strides = array<i32>} : memref<8208xf32, #tpu.memory_space<vmem>>, vector<16xf32>,
      %jit3A_216 = arith.constant 0.000000e+00 : f32
      %broadcast_in_dim3A = vector.broadcast %jit3A_216 : f32 to vector<16xf32>
      %select_n3A_217 = arith.select %lt3A_151, %get3A_215, %broadcast_in_dim3A : vector<16xi1>, vector<16xf32>
      %mul3A_218 = vector.broadcast %squeeze3A : f32 to vector<16xf32>
      %mul3A_219 = arith.mulf %mul3A_218, %select_n3A_217 : vector<16xf32>
      %add3A_220 = arith.addf %get3A_211, %mul3A_219 : vector<16xf32>
      %mul3A_221 = arith.constant 32 : i32
      %mul3A_222 = arith.muli %squeeze3A_191, %mul3A_221 : i32
      %add3A_223 = arith.constant 16 : i32
      %add3A_224 = arith.addi %mul3A_222, %add3A_223 : i32
      %swap3A_225 = arith.index_cast %add3A_224 : i32 to index
      %swap3A_226 = tpu.vector_load %arg22[%swap3A_225] {strides = array<i32>} : memref<12320xf32, #tpu.memory_space<vmem>>, vector<16xf32>,
      tpu.vector_store %arg22[%swap3A_225], %add3A_220 {strides = array<i32>} : memref<12320xf32, #tpu.memory_space<vmem>>, vector<16xf32>,
    }
    %while3A_161 = arith.constant 1 : i32
    scf.for %while3A_182 = %while3A_159 to %while3A_155 step %while3A_161  : i32 {
      %get3A = arith.index_cast %while3A_182 : i32 to index
      %get3A_183 = tpu.vector_load %arg23[%get3A] {strides = array<i32>} : memref<352xf32, #tpu.memory_space<vmem>>, vector<16xf32>,
      %slice3A = vector.extract_strided_slice %get3A_183 {offsets = [0], sizes = [1], strides = [1]} : vector<16xf32> to vector<1xf32>
      %squeeze3A = vector.extract %slice3A[0] : f32 from vector<1xf32>
      %get3A_184 = arith.index_cast %while3A_182 : i32 to index
      %get3A_185 = tpu.vector_load %arg24[%get3A_184] {strides = array<i32>} : memref<352xi32, #tpu.memory_space<vmem>>, vector<16xi32>,
      %slice3A_186 = vector.extract_strided_slice %get3A_185 {offsets = [0], sizes = [1], strides = [1]} : vector<16xi32> to vector<1xi32>
      %squeeze3A_187 = vector.extract %slice3A_186[0] : i32 from vector<1xi32>
      %get3A_188 = arith.index_cast %while3A_182 : i32 to index
      %get3A_189 = tpu.vector_load %arg25[%get3A_188] {strides = array<i32>} : memref<352xi32, #tpu.memory_space<vmem>>, vector<16xi32>,
      %slice3A_190 = vector.extract_strided_slice %get3A_189 {offsets = [0], sizes = [1], strides = [1]} : vector<16xi32> to vector<1xi32>
      %squeeze3A_191 = vector.extract %slice3A_190[0] : i32 from vector<1xi32>
      %mul3A_192 = arith.constant 32 : i32
      %mul3A_193 = arith.muli %squeeze3A_191, %mul3A_192 : i32
      %get3A_194 = arith.index_cast %mul3A_193 : i32 to index
      %get3A_195 = tpu.vector_load %arg22[%get3A_194] {strides = array<i32>} : memref<12320xf32, #tpu.memory_space<vmem>>, vector<16xf32>,
      %mul3A_196 = arith.constant 16 : i32
      %mul3A_197 = arith.muli %squeeze3A_187, %mul3A_196 : i32
      %get3A_198 = arith.index_cast %mul3A_197 : i32 to index
      %get3A_199 = tpu.vector_load %arg11[%get3A_198] {strides = array<i32>} : memref<16384xf32, #tpu.memory_space<vmem>>, vector<16xf32>,
      %mul3A_200 = vector.broadcast %squeeze3A : f32 to vector<16xf32>
      %mul3A_201 = arith.mulf %mul3A_200, %get3A_199 : vector<16xf32>
      %add3A_202 = arith.addf %get3A_195, %mul3A_201 : vector<16xf32>
      %mul3A_203 = arith.constant 32 : i32
      %mul3A_204 = arith.muli %squeeze3A_191, %mul3A_203 : i32
      %swap3A = arith.index_cast %mul3A_204 : i32 to index
      %swap3A_205 = tpu.vector_load %arg22[%swap3A] {strides = array<i32>} : memref<12320xf32, #tpu.memory_space<vmem>>, vector<16xf32>,
      tpu.vector_store %arg22[%swap3A], %add3A_202 {strides = array<i32>} : memref<12320xf32, #tpu.memory_space<vmem>>, vector<16xf32>,
      %mul3A_206 = arith.constant 32 : i32
      %mul3A_207 = arith.muli %squeeze3A_191, %mul3A_206 : i32
      %add3A_208 = arith.constant 16 : i32
      %add3A_209 = arith.addi %mul3A_207, %add3A_208 : i32
      %get3A_210 = arith.index_cast %add3A_209 : i32 to index
      %get3A_211 = tpu.vector_load %arg22[%get3A_210] {strides = array<i32>} : memref<12320xf32, #tpu.memory_space<vmem>>, vector<16xf32>,
      %mul3A_212 = arith.constant 8 : i32
      %mul3A_213 = arith.muli %squeeze3A_187, %mul3A_212 : i32
      %get3A_214 = arith.index_cast %mul3A_213 : i32 to index
      %get3A_215 = tpu.vector_load %arg12[%get3A_214] {strides = array<i32>} : memref<8208xf32, #tpu.memory_space<vmem>>, vector<16xf32>,
      %jit3A_216 = arith.constant 0.000000e+00 : f32
      %broadcast_in_dim3A = vector.broadcast %jit3A_216 : f32 to vector<16xf32>
      %select_n3A_217 = arith.select %lt3A_151, %get3A_215, %broadcast_in_dim3A : vector<16xi1>, vector<16xf32>
      %mul3A_218 = vector.broadcast %squeeze3A : f32 to vector<16xf32>
      %mul3A_219 = arith.mulf %mul3A_218, %select_n3A_217 : vector<16xf32>
      %add3A_220 = arith.addf %get3A_211, %mul3A_219 : vector<16xf32>
      %mul3A_221 = arith.constant 32 : i32
      %mul3A_222 = arith.muli %squeeze3A_191, %mul3A_221 : i32
      %add3A_223 = arith.constant 16 : i32
      %add3A_224 = arith.addi %mul3A_222, %add3A_223 : i32
      %swap3A_225 = arith.index_cast %add3A_224 : i32 to index
      %swap3A_226 = tpu.vector_load %arg22[%swap3A_225] {strides = array<i32>} : memref<12320xf32, #tpu.memory_space<vmem>>, vector<16xf32>,
      tpu.vector_store %arg22[%swap3A_225], %add3A_220 {strides = array<i32>} : memref<12320xf32, #tpu.memory_space<vmem>>, vector<16xf32>,
    }
    %while3A_162 = arith.constant 0 : i32
    %while3A_163 = arith.constant 0 : i32
    %while3A_164 = arith.subi %scan3A_100, %while3A_163 : i32
    %while3A_165 = arith.addi %while3A_163, %while3A_164 : i32
    %while3A_166 = arith.constant 1 : i32
    %while3A_167 = arith.divsi %while3A_164, %while3A_166 : i32
    %while3A_168 = arith.muli %while3A_167, %while3A_166 : i32
    %while3A_169 = arith.addi %while3A_163, %while3A_168 : i32
    %while3A_170 = arith.constant 1 : i32
    scf.for %while3A_182 = %while3A_163 to %while3A_169 step %while3A_170  : i32 {
      %get3A = arith.index_cast %while3A_182 : i32 to index
      %get3A_183 = tpu.vector_load %arg20[%get3A] {strides = array<i32>} : memref<416xi32, #tpu.memory_space<vmem>>, vector<16xi32>,
      %slice3A = vector.extract_strided_slice %get3A_183 {offsets = [0], sizes = [1], strides = [1]} : vector<16xi32> to vector<1xi32>
      %squeeze3A = vector.extract %slice3A[0] : i32 from vector<1xi32>
      %mul3A_184 = arith.constant 32 : i32
      %mul3A_185 = arith.muli %while3A_182, %mul3A_184 : i32
      %mul3A_186 = arith.constant 32 : i32
      %mul3A_187 = arith.muli %squeeze3A, %mul3A_186 : i32
      %dma_start3A = tpu.memref_slice %arg22[%mul3A_185] : memref<12320xf32, #tpu.memory_space<vmem>> -> memref<32xf32, #tpu.memory_space<vmem>>
      %dma_start3A_188 = tpu.memref_slice %arg8[%mul3A_187] : memref<262144xf32, #tpu.memory_space<hbm>> -> memref<32xf32, #tpu.memory_space<hbm>>
      %dma_start3A_189 = tpu.memref_slice %arg8[%mul3A_187] : memref<262144xf32, #tpu.memory_space<hbm>> -> memref<32xf32, #tpu.memory_space<hbm>>
      %dma_start3A_190 = tpu.memref_slice %arg22[%mul3A_185] : memref<12320xf32, #tpu.memory_space<vmem>> -> memref<32xf32, #tpu.memory_space<vmem>>
      tpu.enqueue_dma source(%dma_start3A_190 : memref<32xf32, #tpu.memory_space<vmem>>) target(%dma_start3A_189 : memref<32xf32, #tpu.memory_space<hbm>>) target_semaphore(%arg26 : memref<!tpu.dma_semaphore, #tpu.memory_space<semaphore_mem>>)
    }
    %while3A_171 = arith.constant 1 : i32
    scf.for %while3A_182 = %while3A_169 to %while3A_165 step %while3A_171  : i32 {
      %get3A = arith.index_cast %while3A_182 : i32 to index
      %get3A_183 = tpu.vector_load %arg20[%get3A] {strides = array<i32>} : memref<416xi32, #tpu.memory_space<vmem>>, vector<16xi32>,
      %slice3A = vector.extract_strided_slice %get3A_183 {offsets = [0], sizes = [1], strides = [1]} : vector<16xi32> to vector<1xi32>
      %squeeze3A = vector.extract %slice3A[0] : i32 from vector<1xi32>
      %mul3A_184 = arith.constant 32 : i32
      %mul3A_185 = arith.muli %while3A_182, %mul3A_184 : i32
      %mul3A_186 = arith.constant 32 : i32
      %mul3A_187 = arith.muli %squeeze3A, %mul3A_186 : i32
      %dma_start3A = tpu.memref_slice %arg22[%mul3A_185] : memref<12320xf32, #tpu.memory_space<vmem>> -> memref<32xf32, #tpu.memory_space<vmem>>
      %dma_start3A_188 = tpu.memref_slice %arg8[%mul3A_187] : memref<262144xf32, #tpu.memory_space<hbm>> -> memref<32xf32, #tpu.memory_space<hbm>>
      %dma_start3A_189 = tpu.memref_slice %arg8[%mul3A_187] : memref<262144xf32, #tpu.memory_space<hbm>> -> memref<32xf32, #tpu.memory_space<hbm>>
      %dma_start3A_190 = tpu.memref_slice %arg22[%mul3A_185] : memref<12320xf32, #tpu.memory_space<vmem>> -> memref<32xf32, #tpu.memory_space<vmem>>
      tpu.enqueue_dma source(%dma_start3A_190 : memref<32xf32, #tpu.memory_space<vmem>>) target(%dma_start3A_189 : memref<32xf32, #tpu.memory_space<hbm>>) target_semaphore(%arg26 : memref<!tpu.dma_semaphore, #tpu.memory_space<semaphore_mem>>)
    }
    %while3A_172 = arith.constant 0 : i32
    %while3A_173 = arith.constant 0 : i32
    %while3A_174 = arith.subi %scan3A_100, %while3A_173 : i32
    %while3A_175 = arith.addi %while3A_173, %while3A_174 : i32
    %while3A_176 = arith.constant 1 : i32
    %while3A_177 = arith.divsi %while3A_174, %while3A_176 : i32
    %while3A_178 = arith.muli %while3A_177, %while3A_176 : i32
    %while3A_179 = arith.addi %while3A_173, %while3A_178 : i32
    %while3A_180 = arith.constant 1 : i32
    scf.for %while3A_182 = %while3A_173 to %while3A_179 step %while3A_180  : i32 {
      %dma_wait3A = arith.constant 0 : i32
      %dma_wait3A_183 = tpu.memref_slice %arg22[%dma_wait3A] : memref<12320xf32, #tpu.memory_space<vmem>> -> memref<32xf32, #tpu.memory_space<vmem>>
      %dma_wait3A_184 = arith.constant 0 : i32
      %dma_wait3A_185 = tpu.memref_slice %arg8[%dma_wait3A_184] : memref<262144xf32, #tpu.memory_space<hbm>> -> memref<32xf32, #tpu.memory_space<hbm>>
      %dma_wait3A_186 = arith.constant 0 : i32
      %dma_wait3A_187 = tpu.memref_slice %arg8[%dma_wait3A_186] : memref<262144xf32, #tpu.memory_space<hbm>> -> memref<32xf32, #tpu.memory_space<hbm>>
      %dma_wait3A_188 = arith.constant 0 : i32
      %dma_wait3A_189 = tpu.memref_slice %arg22[%dma_wait3A_188] : memref<12320xf32, #tpu.memory_space<vmem>> -> memref<32xf32, #tpu.memory_space<vmem>>
      tpu.wait_dma2 semaphore(%arg26 : memref<!tpu.dma_semaphore, #tpu.memory_space<semaphore_mem>>) src(%dma_wait3A_189 : memref<32xf32, #tpu.memory_space<vmem>>) dst(%dma_wait3A_187 : memref<32xf32, #tpu.memory_space<hbm>>)
    }
    %while3A_181 = arith.constant 1 : i32
    scf.for %while3A_182 = %while3A_179 to %while3A_175 step %while3A_181  : i32 {
      %dma_wait3A = arith.constant 0 : i32
      %dma_wait3A_183 = tpu.memref_slice %arg22[%dma_wait3A] : memref<12320xf32, #tpu.memory_space<vmem>> -> memref<32xf32, #tpu.memory_space<vmem>>
      %dma_wait3A_184 = arith.constant 0 : i32
      %dma_wait3A_185 = tpu.memref_slice %arg8[%dma_wait3A_184] : memref<262144xf32, #tpu.memory_space<hbm>> -> memref<32xf32, #tpu.memory_space<hbm>>
      %dma_wait3A_186 = arith.constant 0 : i32
      %dma_wait3A_187 = tpu.memref_slice %arg8[%dma_wait3A_186] : memref<262144xf32, #tpu.memory_space<hbm>> -> memref<32xf32, #tpu.memory_space<hbm>>
      %dma_wait3A_188 = arith.constant 0 : i32
      %dma_wait3A_189 = tpu.memref_slice %arg22[%dma_wait3A_188] : memref<12320xf32, #tpu.memory_space<vmem>> -> memref<32xf32, #tpu.memory_space<vmem>>
      tpu.wait_dma2 semaphore(%arg26 : memref<!tpu.dma_semaphore, #tpu.memory_space<semaphore_mem>>) src(%dma_wait3A_189 : memref<32xf32, #tpu.memory_space<vmem>>) dst(%dma_wait3A_187 : memref<32xf32, #tpu.memory_space<hbm>>)
    }
    return
  }
}

</mosaic_0001>

<sc_bundles>
// kernel: kernel.3.cloned.1.call-start
scs
__scs_entry_jumppad:
0x0: {  	(pc) =	sbr.rel $0x88, $3  }
0x1: {  	(tag) =	ssettag $0x0;
	lr =	simm.s32 $0x1  }
0x2: {  	[smem:$0x3F9A] =	sst lr;
	_ =	strace $0xD0000000  }
0x3: {  	_ = 	snop  }
0x4: {  	_ = 	snop  }
0x5: {  	_ = 	snop  }
0x6: {  	_ = 	snop  }
0x7: {  	_ = 	snop  }
__scs_overlays_trampoline_lowered:
0x8: {  	[smem:$0x3FA9] =	sst s0  }
0x9: {  	[smem:$0x3FAA] =	sst s1  }
0xa: {  	[smem:$0x3FAB] =	sst s2  }
0xb: {  	[smem:$0x3FAC] =	sst s3  }
0xc: {  	[smem:$0x3FAD] =	sst s4  }
0xd: {  	[smem:$0x3FAE] =	sst s5  }
0xe: {  	[smem:$0x3FAF] =	sst s6  }
0xf: {  	[smem:$0x3FB0] =	sst s7  }
0x10: {  	[smem:$0x3FB1] =	sst s8  }
0x11: {  	[smem:$0x3FB2] =	sst s9;
	s0 =	simm.s32 @!p0 $0x0  }
0x12: {  	s1 =	sld [smem:$0x3F98];
	s0 =	simm.s32 @p0 $0x1  }
0x13: {  	[smem:$0x3FB3] =	sst s0;
	s0 =	simm.s32 @!p1 $0x0  }
0x14: {  	s2 =	sld [smem:$0x3F97];
	s0 =	simm.s32 @p1 $0x1  }
0x15: {  	[smem:$0x3FB4] =	sst s0;
	s0 =	simm.s32 @!p2 $0x0  }
0x16: {  	s3 =	sld [smem:$0x3FDB];
	s0 =	simm.s32 @p2 $0x1  }
0x17: {  	s4 =	simm.s32 $0x1BF5;
	[smem:$0x3FB6] =	sst s0  }
0x18: {  	s0 =	sld [smem:$0x3F99];
	_ =	swait.ge [sflag:s4], $0x0  }
0x19: {  	s7 =	sld [smem:$0x3F9A]  }
0x1a: {  	s8 =	sadd.s32 $0xFFFFE003, lr  }
0x1b: {  	s9 =	sadd.s32 $0xFFFFFEF7, lr;
	s5 =	simm.s32 $0xFFFFFFFF;
	p2 =	slt.u32 s8, $0xFFFFF086  }
0x1c: {  	p1 =	slt.u32 s9, $0xF7A;
	s5 =	simm.s32 @!p2 $0x0  }
0x1d: {  	s5 =	simm.s32 @p1 $0x1;
	p0 =	seq.s32 s7, s2  }
0x1e: {  	s7 =	smul.u32 @!p0 $0xF7A, s2;
	p2 =	seq.s32 @!p0 s5, $0x0  }
0x1f: {  	s9 =	smul.u32 $0xF7A, s1;
	s8 =	simm.s32 @!p0 $0x1BF5;
	p2 =	por !p2, p0  }
0x20: {  	[sflag:s8] =	ssyncset.s32 @!p0 $0xFFFFF086;
	s6 =	sadd.s32 @!p0 s3, s7;
	s7 =	simm.s32 @!p0 $0x108  }
0x21: {  	s3 =	sadd.s32 s3, s9;
	s6 =	sadd.s32 @!p0 $0x88, s6;
	s7 =	simm.s32 @p2 $0x1082  }
0x22: {  	[simem:s7], [sflag:s8] =	dma.local @!p0 [hbm:s6], $0xF7A  }
0x23: {  	s9 =	sor.u32 $0xD0000000, s2;
	s6 =	simm.s32 $0x108;
	_ =	swait.ge @!p0 [sflag:s8], $0x0  }
0x24: {  	s3 =	sadd.s32 $0x88, s3;
	s6 =	simm.s32 @!p1 $0x1082;
	[sflag:s4] =	ssyncset.s32 $0xFFFFF086  }
0x25: {  	[simem:s6], [sflag:s4] =	dma.local [hbm:s3], $0xF7A  }
0x26: {  	[smem:$0x3F9A] =	sst s1;
	(tag) =	ssettag s2;
	_ =	strace s9  }
0x27: {  	s1 =	sld [smem:$0x3FAA]  }
0x28: {  	s2 =	sld [smem:$0x3FAB]  }
0x29: {  	s4 =	sld [smem:$0x3FAD]  }
0x2a: {  	p0 =	seq.s32 s5, $0x0;
	s5 =	sld [smem:$0x3FAE]  }
0x2b: {  	s6 =	sld [smem:$0x3FAF]  }
0x2c: {  	s7 =	sld [smem:$0x3FB0]  }
0x2d: {  	s3 =	simm.s32 $0x108;
	s8 =	sld [smem:$0x3FB1]  }
0x2e: {  	s3 =	simm.s32 @!p0 $0x1082;
	s9 =	sld [smem:$0x3FB2]  }
0x2f: {  	lr =	sadd.s32 s0, s3;
	s0 =	sld [smem:$0x3FA9]  }
0x30: {  	s3 =	sld [smem:$0x3FAC]  }
0x31: {  	[smem:$0x3FB5] =	sst s10  }
0x32: {  	s10 =	sld [smem:$0x3FB3];
	_ =	sdelay $0x3  }
0x33: {  	p0 =	seq.s32 s10, $0x1;
	s10 =	sld [smem:$0x3FB5];
	_ =	sdelay $0x3  }
0x34: {  	[smem:$0x3FB5] =	sst s10  }
0x35: {  	s10 =	sld [smem:$0x3FB4];
	_ =	sdelay $0x3  }
0x36: {  	p1 =	seq.s32 s10, $0x1;
	s10 =	sld [smem:$0x3FB5];
	_ =	sdelay $0x3  }
0x37: {  	[smem:$0x3FB5] =	sst s10  }
0x38: {  	s10 =	sld [smem:$0x3FB6]  }
0x39: {  	_ = 	snop;
	(pc) =	sbr.ind lr, $3  }
0x3a: {  	_ = 	snop  }
0x3b: {  	_ = 	snop  }
0x3c: {  	p2 =	seq.s32 s10, $0x1;
	s10 =	sld [smem:$0x3FB5]  }
0x3d: {  	_ =	shalt  }
0x3e: {  	_ =	shalt  }
0x3f: {  	_ =	shalt  }
0x40: {  	_ =	shalt  }
0x41: {  	_ =	shalt  }
0x42: {  	_ =	shalt  }
0x43: {  	_ =	shalt  }
0x44: {  	_ =	shalt  }
0x45: {  	_ =	shalt  }
0x46: {  	_ =	shalt  }
0x47: {  	_ =	shalt  }
0x48: {  	_ =	shalt  }
0x49: {  	_ =	shalt  }
0x4a: {  	_ =	shalt  }
0x4b: {  	_ =	shalt  }
0x4c: {  	_ =	shalt  }
0x4d: {  	_ =	shalt  }
0x4e: {  	_ =	shalt  }
0x4f: {  	_ =	shalt  }
0x50: {  	_ =	shalt  }
0x51: {  	_ =	shalt  }
0x52: {  	_ =	shalt  }
0x53: {  	_ =	shalt  }
0x54: {  	_ =	shalt  }
0x55: {  	_ =	shalt  }
0x56: {  	_ =	shalt  }
0x57: {  	_ =	shalt  }
0x58: {  	_ =	shalt  }
0x59: {  	_ =	shalt  }
0x5a: {  	_ =	shalt  }
0x5b: {  	_ =	shalt  }
0x5c: {  	_ =	shalt  }
0x5d: {  	_ =	shalt  }
0x5e: {  	_ =	shalt  }
0x5f: {  	_ =	shalt  }
0x60: {  	_ =	shalt  }
0x61: {  	_ =	shalt  }
0x62: {  	_ =	shalt  }
0x63: {  	_ =	shalt  }
0x64: {  	_ =	shalt  }
0x65: {  	_ =	shalt  }
0x66: {  	_ =	shalt  }
0x67: {  	_ =	shalt  }
0x68: {  	_ =	shalt  }
0x69: {  	_ =	shalt  }
0x6a: {  	_ =	shalt  }
0x6b: {  	_ =	shalt  }
0x6c: {  	_ =	shalt  }
0x6d: {  	_ =	shalt  }
0x6e: {  	_ =	shalt  }
0x6f: {  	_ =	shalt  }
0x70: {  	_ =	shalt  }
0x71: {  	_ =	shalt  }
0x72: {  	_ =	shalt  }
0x73: {  	_ =	shalt  }
0x74: {  	_ =	shalt  }
0x75: {  	_ =	shalt  }
0x76: {  	_ =	shalt  }
0x77: {  	_ =	shalt  }
0x78: {  	_ =	shalt  }
0x79: {  	_ =	shalt  }
0x7a: {  	_ =	shalt  }
0x7b: {  	_ =	shalt  }
0x7c: {  	_ =	shalt  }
0x7d: {  	_ =	shalt  }
0x7e: {  	_ =	shalt  }
0x7f: {  	_ =	shalt  }
0x80: {  	_ =	shalt  }
0x81: {  	_ =	shalt  }
0x82: {  	_ =	shalt  }
0x83: {  	_ =	shalt  }
0x84: {  	_ =	shalt  }
0x85: {  	_ =	shalt  }
0x86: {  	_ =	shalt  }
0x87: {  	_ =	shalt  }
.Lfunc_end0:
.L_simem_size_0:
called_computation_lowered:
.L_overlay_start_0:
0x88: {  	s2 =	sld [smem:$0x3FD9]  }
0x89: {  	s3 =	sld [smem:$0x3FFE];
	_ =	sdelay $0x1  }
0x8a: {  	s1 =	srdreg.scid  }
0x8b: {  	s0 =	sand.u32 $0x1, s1  }
0x8c: {  	s17 =	sshll.u32 s0, $0xA;
	s2 =	sadd.s32 s3, s2  }
0x8d: {  	s2 =	sadd.s32 s2, s17  }
0x8e: {  	[smem:$0x3FC1] =	sst s2  }
0x8f: {  	_ = 	snop  }
0x90: {  	s2 =	sld [smem:$0x3FD0];
	(tm) =	ssettm $0x1  }
0x91: {  	s18 =	sld [smem:$0x3FFB];
	_ =	sdelay $0x3  }
0x92: {  	_ =	strace s18  }
0x93: {  	s3 =	sld [smem:$0x3FFC];
	_ =	sdelay $0x3  }
0x94: {  	_ =	strace s3  }
0x95: {  	s3 =	sld [smem:$0x3FFD];
	_ =	sdelay $0x3  }
0x96: {  	_ =	strace s3  }
0x97: {  	_ =	strace $0x8FFFFFFF  }
0x98: {  	s19 =	sld [smem:$0x3FDB];
	_ =	sdelay $0x1  }
0x99: {  	s4 =	simm.s32 $_scs_section_size  }
0x9a: {  	s5 =	simm.s32 $_size__tile_overlayer_lowered;
	s6 =	simm.s32 $_tile_overlayer_lowered  }
0x9b: {  	s22 =	simm.s32 $0x1BFF;
	s21 =	sshll.u32 s6, $0x1;
	s3 =	sadd.s32 s4, s19  }
0x9c: {  	s7 =	simm.s32 $0x0;
	s20 =	sshll.u32 s5, $0x1;
	s5 =	sadd.s32 s21, s3  }
0x9d: {  	[timem:s7], [sflag:s22] =	dma.local [hbm:s5], s20  }
0x9e: {  	_ =	swait.ge [sflag:s22], s20  }
0x9f: {  	s4 =	ssub.s32 $0x0, s20;
	[sflag:s22] =	ssyncset.done $0x0  }
0xa0: {  	[sflag:s22] =	ssyncadd.s32 s4;
	_ =	sdelay $0x1  }
0xa1: {  	s23 =	simm.s32 $0x1B8B  }
0xa2: {  	_ =	swait.ge [sflag:s23], $0x1  }
0xa3: {  	[sflag:s23] =	ssyncset.done $0x0  }
0xa4: {  	s25 =	simm.s32 $0x1B8E;
	s24 =	sld [smem:$0x3FFE];
	[sflag:s23] =	ssyncadd.s32 $0xFFFFFFFF  }
0xa5: {  	s26 =	simm.s32 $execute0_lowered;
	[smem:$0x3FD2] =	sst s25  }
0xa6: {  	s5 =	sshll.u32 s26, $0x1;
	_ =	strace $0x80000046;
	[dreg:$0x1] =	wrdreg $0xFFFFFFFF  }
0xa7: {  	s28 =	simm.s32 $_size_execute0_lowered;
	s3 =	sadd.s32 s3, s5;
	[dreg:$0x0] =	wrdreg $0x0  }
0xa8: {  	s5 =	sshll.u32 s28, $0x1;
	[dreg:$0x2] =	wrdreg s3  }
0xa9: {  	[dreg:$0x3] =	wrdreg s5  }
0xaa: {  	[dreg:$0x4] =	wrdreg $0xC0  }
0xab: {  	_ =	task [dreg:s7], $0x5FFFF  }
0xac: {  	[dreg:$0x1] =	wrdreg $0xFFFFFFFF  }
0xad: {  	[dreg:$0x0] =	wrdreg $0x60  }
0xae: {  	[dreg:$0x2] =	wrdreg s24  }
0xaf: {  	[dreg:$0x3] =	wrdreg s2  }
0xb0: {  	[dreg:$0x4] =	wrdreg $0x9  }
0xb1: {  	_ =	task.clear_ibuf [dreg:s7], $0x5FFFF;
	_ =	strace $0x90000046  }
0xb2: {  	s29 =	simm.s32 $0x9;
	_ =	strace $0x80000048  }
0xb3: {  	_ =	swait.ge [sflag:s29], $0x1  }
0xb4: {  	[sflag:s29] =	ssyncadd.s32 $0xFFFFFFFF  }
0xb5: {  	_ =	strace $0x90000048  }
0xb6: {  	_ =	sfence  }
0xb7: {  	s30 =	sld [smem:$0x0];
	_ =	sdelay $0x2  }
0xb8: {  	s31 =	sshll.u32 s1, $0xD;
	s1 =	sshrl.u32 s1, $0x2  }
0xb9: {  	s3 =	sand.u32 $0x4000, s31;
	s1 =	sadd.s32 s1, s30  }
0xba: {  	s0 =	sor.u32 s3, s0;
	s1 =	sshll.u32 s1, $0x11  }
0xbb: {  	s0 =	sor.u32 s1, s0  }
0xbc: {  	s0 =	sadd.s32 $0x8F2B, s0  }
0xbd: {  	[sflag:s0] =	ssyncadd.remote.s32 $0x1  }
0xbe: {  	_ =	sfence.sel $0xFFFF  }
0xbf: {  	[dreg:$0x0] =	wrdreg $0xFFFFFFFF;
	(pc) =	sbr.abs _section_cstart, $3  }
0xc0: {  	[dreg:$0x1] =	wrdreg $0xFFFFFFFF  }
0xc1: {  	_ =	task.clear_ibuf [dreg:s7], $0x2FFFF;
	_ =	strace $0x9FFFFFFF  }
0xc2: {  	(tm) =	ssettm $0x7FFFFFFF  }
0xc3: {  	_ =	shalt  }
tec
execute0_lowered:
.L_overlay_start_1:
0x0: {  	(tag) =	ssettag $0x1  }
0x1: {  	s0 =	rddreg [dreg:$0x0];
	s2 =	simm.s32 $0x0;
	s11 =	srdreg.scid  }
0x2: {  	s6 =	stileid.u32;
	s18 =	simm.s32 $0xCD80;
	s19 =	simm.s32 $0xC100  }
0x3: {  	s20 =	simm.s32 $0x1;
	s21 =	simm.s32 $0x9900;
	s22 =	simm.s32 $0xA100  }
0x4: {  	s23 =	simm.s32 $0x12E00;
	s24 =	simm.s32 $0x13300;
	s28 =	simm.s32 $0x2800  }
0x5: {  	s29 =	simm.s32 $0x16980;
	[smem:$0x7FF] =	sst s2;
	s1 =	sadd.s32 $0x600, s0  }
0x6: {  	s3 =	sadd.s32 $0x400, s0;
	_ =	strace $0x80000047;
	[dreg:$0x3] =	wrdreg s1  }
0x7: {  	s30 =	simm.s32 $0x16B00;
	s4 =	sadd.s32 $0x1000, s0;
	[dreg:$0x4] =	wrdreg s3  }
0x8: {  	s31 =	simm.s32 $0x0;
	s13 =	sadd.s32 $0x1800, s0;
	[dreg:$0x5] =	wrdreg s4  }
0x9: {  	s12 =	sshll.u32 s6, $0x1;
	s14 =	sadd.s32 $0xC00, s0;
	[dreg:$0x6] =	wrdreg s13  }
0xa: {  	s9 =	sadd.s32 $0x1C00, s0;
	s7 =	sadd.s32 $0xD00, s0;
	[dreg:$0x7] =	wrdreg s14  }
0xb: {  	s16 =	sshrl.u32 s6, $0x1;
	s25 =	sadd.s32 $0xE00, s0;
	[dreg:$0x8] =	wrdreg s7  }
0xc: {  	s0 =	sadd.s32 $0xF00, s0;
	s1 =	sand.u32 $0x1, s11;
	[dreg:$0x9] =	wrdreg s25  }
.Ltmp0:
0xd: {  	s3 =	sor.u32 s1, s12;
	s1 =	ssub.s32 $0x2, s1;
	(pc) =	sbr.rel .LBB2_1-.Ltmp0, $4  }
0xe: {  	[dreg:$0xa] =	wrdreg s0;
	s15 =	sshll.u32 s3, $0x1;
	s5 =	sshrl.u32 s1, $0x1  }
0xf: {  	v4 =	vlaneseq.u32;
	v5 =	vimm.s32 $0x0;
	s25 =	simm.s32 $0x13380;
	s4 =	sand.u32 $0x6, s15;
	s1 =	ssub.s32 s1, s5  }
0x10: {  	v6 =	vimm.f32 $0.0e+00;
	vm0 =	vmmov $0xff;
	v0 =	vmov s16;
	s13 =	sshll.u32 s3, $0x4;
	s17 =	sor.u32 $0x1, s4;
	s26 =	smax.u32 s1, $0x1  }
0x11: {  	v3 =	vmov s3;
	s15 =	simm.s32 $0x2;
	v1 =	vmov s4;
	[dreg:$0xb] =	wrdreg s26;
	v2 =	vmov s17;
	s26 =	simm.s32 $0x13580  }
.LBB2_44:
0x12: {  	[sflag:s20] =	ssyncadd.s32 $0xFFFFFFE0  }
.LBB2_45:
0x13: {  	s31 =	sadd.s32 $0x1, s31;
	s0 =	rddreg [dreg:$0xb]  }
0x14: {  	p0 =	sne.s32 s31, s0  }
.Ltmp1:
0x15: {  	_ = 	snop;
	(pc) =	sbr.rel @!p0 .LBB2_46-.Ltmp1, $1  }
0x16: {  	_ =	sdelay $0x3  }
.LBB2_1:
0x17: {  	s0 =	rddreg [dreg:$0x3]  }
0x18: {  	[tilespmem:s2], [sflag:$0x2] =	stream.linear.gather [hbm4b:s0+s2], $0x2800, $0x38;
	[tilespmem:$0x16C80] =	vst v63  }
0x19: {  	_ =	swait.ge [sflag:s15], $0x2800  }
0x1a: {  	[sflag:s15] =	ssyncset.done $0x0  }
0x1b: {  	s8 =	rddreg [dreg:$0x4];
	[sflag:s15] =	ssyncadd.s32 $0xFFFFD800  }
0x1c: {  	[tilespmem:s28], [sflag:$0x2] =	stream.linear.gather [hbm4b:s8+s2], $0x1000, $0x38;
	[tilespmem:$0x16C80] =	vst v63  }
0x1d: {  	_ =	swait.ge [sflag:s15], $0x1000  }
0x1e: {  	[sflag:s15] =	ssyncset.done $0x0  }
0x1f: {  	s1 =	simm.s32 $0x3880;
	s10 =	rddreg [dreg:$0x5];
	[sflag:s15] =	ssyncadd.s32 $0xFFFFF000  }
0x20: {  	[tilespmem:s1], [sflag:$0x2] =	stream.linear.gather [hbm4b:s10+s2], $0x4000, $0x38;
	[tilespmem:$0x16C80] =	vst v63  }
0x21: {  	_ =	swait.ge [sflag:s15], $0x4000  }
0x22: {  	[sflag:s15] =	ssyncset.done $0x0  }
0x23: {  	s12 =	simm.s32 $0x7880;
	s11 =	rddreg [dreg:$0x6];
	[sflag:s15] =	ssyncadd.s32 $0xFFFFC000  }
0x24: {  	[tilespmem:s12], [sflag:$0x2] =	stream.linear.gather [hbm4b:s11+s2], $0x2000, $0x38;
	[tilespmem:$0x16C80] =	vst v63  }
0x25: {  	_ =	swait.ge [sflag:s15], $0x2000  }
0x26: {  	[sflag:s15] =	ssyncset.done $0x0  }
0x27: {  	[sflag:s15] =	ssyncadd.s32 $0xFFFFE000  }
0x28: {  	s14 =	rddreg [dreg:$0x1]  }
0x29: {  	[tilespmem:s18], [sflag:$0x2] =	stream.linear.gather [hbm4b:s14+s2], $0x6000, $0x38;
	[tilespmem:$0x16C80] =	vst v63  }
0x2a: {  	_ =	swait.ge [sflag:s15], $0x6000  }
0x2b: {  	[sflag:s15] =	ssyncset.done $0x0  }
0x2c: {  	s16 =	sand.u32 $0x3F0, s2;
	[sflag:s15] =	ssyncadd.s32 $0xFFFFA000  }
0x2d: {  	v7 =	vld [tilespmem:s16+$0x3400]  }
0x2e: {  	v8 =	vld [tilespmem:s28+$0x0];
	_ =	sdelay $0x4  }
0x2f: {  	v9 =	vsub.s32 v8, v7;
	v7 =	vadd.s32 v8, v7  }
0x30: {  	v8 =	vshra.s32 v9, $0x4;
	v7 =	vshra.s32 v7, $0x4  }
0x31: {  	vm1 =	vle.s32 v8, v0;
	vm2 =	vle.s32 v0, v7  }
0x32: {  	vm1 =	vmand vm1, vm2  }
0x33: {  	v7 =	vsel vm1, $0x1, v5  }
0x34: {  	(xrf0) =	vadd.scan.msk.s32 $0xffff, v7;
	_ =	sdelay $0x4  }
0x35: {  	v7 =	vsel vm1, $0xFFFFFFFF, v5  }
0x36: {  	v7 =	vadd.s32 s2, v7;
	v8, _, _ =	vpop (xrf0)  }
0x37: {  	v7 =	vadd.s32 v8, v7;
	(v2sf) =	vpush v8, $0xF;
	_ =	sdelay $0x3  }
0x38: {  	v63 =	vor.u32 s2, v4;
	s0 =	simm.s32 $0x10  }
0x39: {  	s17 =	sand.u32 $0x3F0, s0;
	[tilespmem:v7+s19+$0x0] =	vst.idx.msk vm1, v63  }
0x3a: {  	s4 =	simm.s32 $0x20;
	s3 =	simm.s32 $0x2810;
	s1 =	simm.s32 $0x0;
	v7 =	vld [tilespmem:s17+$0x3400]  }
.LBB2_2:
0x3b: {  	p0 =	sne.s32 s4, $0x3F0;
	v8 =	vld [tilespmem:s3+$0x0];
	_ =	sdelay $0x4  }
0x3c: {  	v9 =	vsub.s32 v8, v7;
	v7 =	vadd.s32 v8, v7  }
0x3d: {  	v8 =	vshra.s32 v9, $0x4;
	v7 =	vshra.s32 v7, $0x4  }
0x3e: {  	vm1 =	vle.s32 v8, v0;
	vm2 =	vle.s32 v0, v7  }
0x3f: {  	vm1 =	vmand vm1, vm2;
	s5 =	spop (v2sf)  }
0x40: {  	v7 =	vsel vm1, $0xFFFFFFFF, v5;
	v8 =	vsel vm1, $0x1, v5;
	s1 =	sadd.s32 s1, s5  }
0x41: {  	(xrf0) =	vadd.scan.msk.s32 $0xffff, v8;
	p1 =	slt.s32 s1, $0x400  }
0x42: {  	s1 =	simm.s32 @!p1 $0x400  }
0x43: {  	v7 =	vadd.s32 s1, v7;
	_ =	sdelay $0x3  }
0x44: {  	v8, _, _ =	vpop (xrf0)  }
0x45: {  	v7 =	vadd.s32 v8, v7;
	(v2sf) =	vpush v8, $0xF;
	_ =	sdelay $0x1  }
.Ltmp2:
0x46: {  	(pc) =	sbr.rel @p0 .LBB2_2-.Ltmp2, $4  }
0x47: {  	_ = 	snop  }
0x48: {  	v8 =	vor.u32 s0, v4;
	s0 =	smov.u32 s4  }
0x49: {  	s5 =	sand.u32 $0x3F0, s4;
	[tilespmem:v7+s19+$0x0] =	vst.idx.msk vm1, v8  }
0x4a: {  	s3 =	sadd.s32 $0x10, s3;
	s4 =	sadd.s32 $0x10, s4;
	v7 =	vld [tilespmem:s5+$0x3400]  }
0x4b: {  	v8 =	vld [tilespmem:s3+$0x0];
	_ =	sdelay $0x4  }
0x4c: {  	v9 =	vsub.s32 v8, v7;
	v7 =	vadd.s32 v8, v7  }
0x4d: {  	v8 =	vshra.s32 v9, $0x4;
	v7 =	vshra.s32 v7, $0x4  }
0x4e: {  	vm1 =	vle.s32 v8, v0;
	vm2 =	vle.s32 v0, v7  }
0x4f: {  	vm1 =	vmand vm1, vm2  }
0x50: {  	v7 =	vsel vm1, $0x1, v5  }
0x51: {  	(xrf0) =	vadd.scan.msk.s32 $0xffff, v7;
	_ =	sdelay $0x1  }
0x52: {  	s14 =	spop (v2sf)  }
0x53: {  	s1 =	sadd.s32 s1, s14  }
0x54: {  	p0 =	slt.s32 s1, $0x400  }
0x55: {  	v7 =	vsel vm1, $0xFFFFFFFF, v5;
	s1 =	simm.s32 @!p0 $0x400  }
0x56: {  	v7 =	vadd.s32 s1, v7;
	v8, _, _ =	vpop (xrf0)  }
0x57: {  	v7 =	vadd.s32 v8, v7;
	_ =	sdelay $0x3  }
0x58: {  	(v2sf) =	vpush v8, $0xF;
	v8 =	vor.u32 s0, v4  }
0x59: {  	s16 =	simm.s32 $0x3000;
	[tilespmem:v7+s19+$0x0] =	vst.idx.msk vm1, v8  }
0x5a: {  	v7 =	vld [tilespmem:s16+$0x0]  }
0x5b: {  	v8 =	vld [tilespmem:s16+$0xFFFFFC00]  }
0x5c: {  	v9 =	vld [tilespmem:s16+$0x400];
	_ =	sdelay $0x4  }
0x5d: {  	v10 =	vsub.s32 v8, v9;
	v8 =	vadd.s32 v8, v9;
	v11 =	vsub.s32 v7, v9  }
0x5e: {  	v7 =	vadd.s32 v7, v9;
	v10 =	vshra.s32 v10, $0x4;
	v8 =	vshra.s32 v8, $0x4  }
0x5f: {  	v11 =	vshra.s32 v11, $0x4;
	v7 =	vshra.s32 v7, $0x4;
	vm4 =	vle.s32 v10, v1  }
0x60: {  	vm3 =	vle.s32 v10, v2;
	vm1 =	vlt.s32 v11, $0x6;
	vm6 =	vle.s32 v1, v8  }
0x61: {  	vm5 =	vle.s32 v2, v8;
	vm2 =	vlt.s32 v11, $0x8;
	vm8 =	vlt.s32 v11, $0x2  }
0x62: {  	vm9 =	vgt.s32 v7, $0x2;
	vm10 =	vgt.s32 v7, $0x0;
	vm11 =	vlt.s32 v11, $0x4  }
0x63: {  	s4 =	simm.s32 $0x0;
	vm7 =	vmand vm3, vm5;
	vm5 =	vlt.s32 v11, $0x1;
	vm3 =	vlt.s32 v11, $0x5  }
0x64: {  	s5 =	simm.s32 $0x9D00;
	s6 =	simm.s32 $0xA900;
	s3 =	simm.s32 $0x10;
	vm6 =	vmand vm4, vm6;
	vm4 =	vlt.s32 v11, $0x7;
	vm8 =	vmand vm8, vm10  }
0x65: {  	s7 =	simm.s32 $0x9D10;
	s8 =	simm.s32 $0xA910;
	vm10 =	vgt.s32 v7, $0x1;
	s17 =	spop (v2sf);
	v8 =	vsel vm7, $0x1, v5;
	vm7 =	vlt.s32 v11, $0x3  }
0x66: {  	s10 =	simm.s32 $0x3010;
	s11 =	simm.s32 $0x20;
	v10 =	vsel vm8, $0x1, v5;
	s1 =	sadd.s32 s1, s17;
	[tilespmem:s5+$0x0] =	vst v8;
	v8 =	vsel vm6, $0x1, v5;
	vm6 =	vmand vm7, vm10  }
0x67: {  	s16 =	simm.s32 $0xA910;
	vm8 =	vgt.s32 v7, $0xFFFFFFFF;
	vm7 =	vmand vm11, vm9;
	p0 =	slt.s32 s1, $0x400;
	s0 =	smov.u32 s1;
	[tilespmem:s5+$0xFFFFFC00] =	vst v8;
	v9 =	vsel vm6, $0x1, v5  }
0x68: {  	s17 =	simm.s32 $0x9D10;
	v8 =	vsel vm7, $0x1, v5;
	vm7 =	vgt.s32 v7, $0x3;
	vm6 =	vgt.s32 v7, $0x4;
	s5 =	simm.s32 $0x3010;
	s0 =	simm.s32 @!p0 $0x400;
	[tilespmem:s6+$0xFFFFFC00] =	vst v10  }
.LBB2_4:
0x69: {  	s7 =	sadd.s32 $0x10, s7;
	s8 =	sadd.s32 $0x10, s8;
	s10 =	sadd.s32 $0x10, s10;
	vm5 =	vmand vm5, vm8;
	[tilespmem:s6+$0x0] =	vst v9;
	vm8 =	vgt.s32 v7, $0x5;
	vm9 =	vgt.s32 v7, $0x6  }
0x6a: {  	p0 =	sne.s32 s11, $0x3F0;
	vm3 =	vmand vm3, vm7;
	s12 =	smov.u32 s11;
	s11 =	sadd.s32 $0x10, s11;
	v7 =	vsel vm5, $0x1, v5;
	[tilespmem:s6+$0x400] =	vst v8;
	vm4 =	vmand vm4, vm8  }
0x6b: {  	s14 =	sand.u32 $0x3F0, s4;
	vm1 =	vmand vm1, vm6;
	vm2 =	vmand vm2, vm9;
	[tilespmem:s6+$0xFFFFF800] =	vst v7;
	v7 =	vsel vm3, $0x1, v5;
	s6 =	smov.u32 s16;
	s16 =	smov.u32 s8  }
0x6c: {  	s4 =	smov.u32 s3;
	s3 =	smov.u32 s12;
	[tilespmem:s14+$0xB100] =	vst v7;
	v7 =	vsel vm1, $0x1, v5  }
0x6d: {  	[tilespmem:s14+$0xB500] =	vst v7;
	v7 =	vsel vm4, $0x1, v5  }
0x6e: {  	[tilespmem:s14+$0xB900] =	vst v7;
	v7 =	vsel vm2, $0x1, v5  }
0x6f: {  	[tilespmem:s14+$0xBD00] =	vst v7  }
0x70: {  	v7 =	vld [tilespmem:s5+$0x0]  }
0x71: {  	v8 =	vld [tilespmem:s5+$0xFFFFFC00]  }
0x72: {  	v9 =	vld [tilespmem:s5+$0x400];
	s5 =	smov.u32 s10;
	_ =	sdelay $0x4  }
0x73: {  	v10 =	vsub.s32 v8, v9;
	v8 =	vadd.s32 v8, v9;
	v11 =	vsub.s32 v7, v9  }
0x74: {  	v10 =	vshra.s32 v10, $0x4;
	v8 =	vshra.s32 v8, $0x4;
	v11 =	vshra.s32 v11, $0x4  }
0x75: {  	vm4 =	vle.s32 v10, v1;
	vm3 =	vle.s32 v10, v2;
	vm1 =	vlt.s32 v11, $0x6  }
0x76: {  	vm6 =	vle.s32 v1, v8;
	vm5 =	vle.s32 v2, v8;
	vm2 =	vlt.s32 v11, $0x8  }
0x77: {  	vm7 =	vmand vm3, vm5;
	vm5 =	vlt.s32 v11, $0x1;
	vm3 =	vlt.s32 v11, $0x5  }
0x78: {  	v7 =	vadd.s32 v7, v9;
	vm6 =	vmand vm4, vm6;
	v8 =	vsel vm7, $0x1, v5  }
0x79: {  	v7 =	vshra.s32 v7, $0x4;
	vm4 =	vlt.s32 v11, $0x7;
	vm7 =	vlt.s32 v11, $0x3;
	[tilespmem:s17+$0x0] =	vst v8  }
.Ltmp3:
0x7a: {  	vm8 =	vgt.s32 v7, $0x2;
	v8 =	vsel vm6, $0x1, v5;
	vm6 =	vlt.s32 v11, $0x2;
	(pc) =	sbr.rel @p0 .LBB2_4-.Ltmp3, $4  }
0x7b: {  	vm9 =	vgt.s32 v7, $0x0;
	vm10 =	vgt.s32 v7, $0x1;
	vm11 =	vlt.s32 v11, $0x4;
	[tilespmem:s17+$0xFFFFFC00] =	vst v8;
	s17 =	smov.u32 s7  }
0x7c: {  	vm8 =	vmand vm11, vm8;
	vm7 =	vmand vm7, vm10;
	vm6 =	vmand vm6, vm9  }
0x7d: {  	v9 =	vsel vm7, $0x1, v5;
	v10 =	vsel vm6, $0x1, v5;
	v8 =	vsel vm8, $0x1, v5  }
0x7e: {  	vm7 =	vgt.s32 v7, $0x3;
	vm8 =	vgt.s32 v7, $0xFFFFFFFF;
	vm6 =	vgt.s32 v7, $0x4;
	[tilespmem:s6+$0xFFFFFC00] =	vst v10  }
0x7f: {  	vm5 =	vmand vm5, vm8;
	[tilespmem:s6+$0x0] =	vst v9  }
0x80: {  	[tilespmem:s6+$0x400] =	vst v8;
	vm3 =	vmand vm3, vm7;
	v60 =	vsel vm5, $0x1, v5  }
0x81: {  	vm8 =	vgt.s32 v7, $0x5;
	s4 =	sand.u32 $0x3F0, s4;
	vm1 =	vmand vm1, vm6;
	v8 =	vsel vm3, $0x1, v5;
	[tilespmem:s6+$0xFFFFF800] =	vst v60  }
0x82: {  	vm3 =	vgt.s32 v7, $0x6;
	vm4 =	vmand vm4, vm8;
	v7 =	vsel vm1, $0x1, v5;
	[tilespmem:s4+$0xB100] =	vst v8  }
0x83: {  	vm1 =	vmand vm2, vm3;
	[tilespmem:s4+$0xB500] =	vst v7;
	v7 =	vsel vm4, $0x1, v5  }
0x84: {  	[tilespmem:s4+$0xB900] =	vst v7;
	v7 =	vsel vm1, $0x1, v5  }
0x85: {  	[tilespmem:s4+$0xBD00] =	vst v7  }
0x86: {  	v7 =	vld [tilespmem:s5+$0x0]  }
0x87: {  	v8 =	vld [tilespmem:s5+$0xFFFFFC00]  }
0x88: {  	v9 =	vld [tilespmem:s5+$0x400];
	_ =	sdelay $0x4  }
0x89: {  	v10 =	vsub.s32 v8, v9;
	v8 =	vadd.s32 v8, v9;
	v11 =	vsub.s32 v7, v9  }
0x8a: {  	v7 =	vadd.s32 v7, v9;
	v10 =	vshra.s32 v10, $0x4;
	v8 =	vshra.s32 v8, $0x4  }
0x8b: {  	v11 =	vshra.s32 v11, $0x4;
	v7 =	vshra.s32 v7, $0x4;
	vm3 =	vle.s32 v10, v1  }
0x8c: {  	vm9 =	vle.s32 v10, v2;
	vm2 =	vlt.s32 v11, $0x6;
	vm10 =	vle.s32 v1, v8  }
0x8d: {  	vm11 =	vle.s32 v2, v8;
	vm1 =	vlt.s32 v11, $0x8;
	vm6 =	vlt.s32 v11, $0x1  }
0x8e: {  	vm7 =	vlt.s32 v11, $0x5;
	vm12 =	vlt.s32 v11, $0x3;
	vm13 =	vlt.s32 v11, $0x2  }
0x8f: {  	vm14 =	vgt.s32 v7, $0x0;
	vm15 =	vgt.s32 v7, $0x1;
	vm4 =	vmand vm9, vm11  }
0x90: {  	vm5 =	vmand vm3, vm10;
	vm3 =	vlt.s32 v11, $0x7;
	v8 =	vsel vm4, $0x1, v5  }
0x91: {  	vm9 =	vgt.s32 v7, $0x2;
	v61 =	vsel vm5, $0x1, v5;
	vm5 =	vmand vm13, vm14;
	[tilespmem:s17+$0x0] =	vst v8  }
0x92: {  	vm10 =	vlt.s32 v11, $0x4;
	vm4 =	vmand vm12, vm15;
	[tilespmem:s17+$0xFFFFFC00] =	vst v61;
	v8 =	vsel vm5, $0x1, v5  }
0x93: {  	s11 =	sadd.s32 $0xF, s0;
	vm9 =	vmand vm10, vm9;
	vm10 =	vgt.s32 v7, $0xFFFFFFFF;
	v62 =	vsel vm4, $0x1, v5;
	[tilespmem:s16+$0xFFFFFC00] =	vst v8  }
0x94: {  	p0 =	slt.s32 s1, $0xFFFFFFF2;
	s12 =	sand.u32 $0xF, s11;
	vm11 =	vgt.s32 v7, $0x3;
	vm4 =	vmand vm6, vm10;
	v8 =	vsel vm9, $0x1, v5;
	[tilespmem:s16+$0x0] =	vst v62  }
0x95: {  	s3 =	sand.u32 $0x3F0, s3;
	s14 =	sshra.s32 s11, $0x1F;
	p1 =	sne.s32 s12, $0x0;
	vm12 =	vgt.s32 v7, $0x4;
	vm13 =	vmand vm7, vm11;
	v63 =	vsel vm4, $0x1, v5;
	[tilespmem:s16+$0x400] =	vst v8  }
.Ltmp4:
0x96: {  	p0 =	por !p0, !p1;
	vm14 =	vgt.s32 v7, $0x5;
	vm2 =	vmand vm2, vm12;
	s17 =	sshrl.u32 s14, $0x1C;
	[tilespmem:s16+$0xFFFFF800] =	vst v63;
	v8 =	vsel vm13, $0x1, v5;
	(pc) =	sbr.rel .LBB2_6-.Ltmp4, $4  }
0x97: {  	p0 =	por !p0, !p0;
	s4 =	simm.s32 $0x1;
	vm15 =	vgt.s32 v7, $0x6;
	vm3 =	vmand vm3, vm14;
	v7 =	vsel vm2, $0x1, v5;
	s1 =	sadd.s32 s17, s11;
	[tilespmem:s3+$0xB100] =	vst v8  }
0x98: {  	s4 =	simm.s32 @!p0 $0x0;
	vm1 =	vmand vm1, vm15;
	s1 =	sshra.s32 s1, $0x4;
	[tilespmem:s3+$0xB500] =	vst v7;
	v7 =	vsel vm3, $0x1, v5  }
0x99: {  	s1 =	ssub.s32 s1, s4;
	[tilespmem:s3+$0xB900] =	vst v7;
	v7 =	vsel vm1, $0x1, v5  }
0x9a: {  	p0 =	slt.s32 s1, $0x1;
	[tilespmem:s3+$0xBD00] =	vst v7;
	v7 =	vmov s0;
	s0 =	simm.s32 $0x0  }
.LBB2_8:
0x9b: {  	_ = 	snop  }
.LBB2_11:
0x9c: {  	_ =	sdelay $0x3  }
0x9d: {  	v9 =	vld.idx.msk [tilespmem:v12+s21+$0x0], $0xffff  }
0x9e: {  	v10 =	vld.idx.msk [tilespmem:v11+s22+$0x0], $0xffff;
	_ =	sdelay $0x4  }
0x9f: {  	v9 =	vand.u32 v9, v10  }
0xa0: {  	vm2 =	veq.s32 v9, $0x1  }
0xa1: {  	vm1 =	vmand vm1, vm2  }
0xa2: {  	v62 =	vsel vm1, $0x1, v5  }
0xa3: {  	(xrf0) =	vadd.scan.msk.s32 $0xffff, v62;
	_ =	sdelay $0x5  }
0xa4: {  	v9, _, _ =	vpop (xrf0)  }
0xa5: {  	(v2sf) =	vpush v9, $0xF;
	_ =	sdelay $0x6  }
0xa6: {  	p2 =	slt.s32 @p1 s5, $0x40  }
0xa7: {  	p2 =	por !p2, !p1  }
0xa8: {  	s5 =	simm.s32 @p2 $0x40  }
0xa9: {  	s3 =	smov.u32 @p1 s5  }
0xaa: {  	s4 =	sadd.s32 s4, s3;
	v63 =	vsel vm1, $0xFFFFFFFF, v5  }
0xab: {  	v10 =	vadd.s32 s4, v63  }
0xac: {  	v9 =	vadd.s32 v9, v10;
	_ =	sdelay $0x1  }
0xad: {  	s17 =	spop (v2sf)  }
0xae: {  	s3 =	sadd.s32 s3, s17  }
0xaf: {  	p1 =	slt.s32 s3, $0x40  }
0xb0: {  	[tilespmem:v9+s23+$0x0] =	vst.idx.msk vm1, v8;
	s3 =	simm.s32 @!p1 $0x40  }
.LBB2_12:
0xb1: {  	v8 =	vmov s0;
	s0 =	sadd.s32 $0x1, s0  }
0xb2: {  	p1 =	sne.s32 s0, $0x10  }
.Ltmp5:
0xb3: {  	_ = 	snop;
	(pc) =	sbr.rel @!p1 .LBB2_13-.Ltmp5, $3  }
0xb4: {  	_ =	sdelay $0x1  }
0xb5: {  	v9 =	vmov s3  }
0xb6: {  	[tilespmem:v8+s24+$0x0] =	vst.idx.msk $0x1, v9  }
.LBB2_6:
.Ltmp6:
0xb7: {  	(pc) =	sbr.rel @p0 .LBB2_12-.Ltmp6, $2  }
0xb8: {  	_ =	sdelay $0x2  }
0xb9: {  	s3 =	simm.s32 $0x0  }
0xba: {  	s3 =	simm.s32 $0xC100  }
0xbb: {  	v8 =	vld [tilespmem:s3+$0x0]  }
0xbc: {  	p2 =	sne.s32 s1, $0x1  }
.Ltmp7:
0xbd: {  	s4 =	sshrl.u32 s0, $0x3;
	s3 =	simm.s32 $0x0;
	(pc) =	sbr.rel @!p2 .LBB2_8-.Ltmp7, $4  }
0xbe: {  	s5 =	sshll.u32 s0, $0xA;
	s6 =	sshll.u32 s4, $0xD;
	v9 =	vor.u32 s3, v4  }
0xbf: {  	s4 =	sshll.u32 s4, $0xA;
	s5 =	ssub.s32 s5, s6;
	vm1 =	vlt.s32 v9, v7  }
0xc0: {  	v9 =	vmov s4;
	v10 =	vmov s5;
	v8 =	vnsel vm1, $0x0, v8  }
0xc1: {  	p1 =	por $0x0, $0x0;
	s4 =	smul.u32 $0x50, s0;
	s5 =	sadd.s32 $0xFFFFFFFF, s1;
	v12 =	vadd.s32 v9, v8;
	v11 =	vadd.s32 v10, v8  }
0xc2: {  	_ =	sdelay $0x3  }
0xc3: {  	v12 =	vld.idx.msk [tilespmem:v12+s21+$0x0], $0xffff  }
0xc4: {  	v11 =	vld.idx.msk [tilespmem:v11+s22+$0x0], $0xffff;
	_ =	sdelay $0x4  }
0xc5: {  	v11 =	vand.u32 v12, v11  }
0xc6: {  	vm2 =	veq.s32 v11, $0x1  }
0xc7: {  	vm1 =	vmand vm1, vm2  }
0xc8: {  	v11 =	vsel vm1, $0x1, v5  }
0xc9: {  	(xrf0) =	vadd.scan.msk.s32 $0xffff, v11;
	_ =	sdelay $0x4  }
0xca: {  	s6 =	sadd.s32 $0x0, s4;
	v12 =	vsel vm1, $0xFFFFFFFF, v5  }
0xcb: {  	v12 =	vadd.s32 s6, v12;
	v11, _, _ =	vpop (xrf0)  }
0xcc: {  	(v2sf) =	vpush v11, $0xF;
	v11 =	vadd.s32 v11, v12;
	_ =	sdelay $0x4  }
0xcd: {  	s6 =	simm.s32 $0xC110;
	[tilespmem:v11+s23+$0x0] =	vst.idx.msk vm1, v8  }
0xce: {  	v8 =	vld [tilespmem:s6+$0x0];
	_ =	sdelay $0x1  }
0xcf: {  	s7 =	simm.s32 $0x10  }
0xd0: {  	v11 =	vor.u32 s7, v4  }
0xd1: {  	vm1 =	vlt.s32 v11, v7  }
0xd2: {  	p2 =	sne.s32 s5, $0x1;
	v8 =	vnsel vm1, $0x0, v8  }
.Ltmp8:
0xd3: {  	v12 =	vadd.s32 v9, v8;
	(pc) =	sbr.rel @!p2 .LBB2_11-.Ltmp8, $3  }
0xd4: {  	v11 =	vadd.s32 v10, v8;
	_ =	sdelay $0x1  }
0xd5: {  	s10 =	spop (v2sf)  }
0xd6: {  	s8 =	sadd.s32 $0xFFFFFFFF, s5;
	p1 =	por $0x1, $0x1;
	s5 =	sadd.s32 $0x0, s10  }
.LBB2_10:
0xd7: {  	p2 =	sne.s32 s8, $0x1;
	s8 =	sadd.s32 $0xFFFFFFFF, s8;
	v12 =	vld.idx.msk [tilespmem:v12+s21+$0x0], $0xffff;
	p3 =	slt.s32 s5, $0x40  }
0xd8: {  	v11 =	vld.idx.msk [tilespmem:v11+s22+$0x0], $0xffff;
	s5 =	simm.s32 @!p3 $0x40;
	_ =	sdelay $0x5  }
0xd9: {  	v11 =	vand.u32 v12, v11  }
0xda: {  	vm2 =	veq.s32 v11, $0x1  }
0xdb: {  	vm1 =	vmand vm1, vm2  }
0xdc: {  	v11 =	vsel vm1, $0xFFFFFFFF, v5;
	v12 =	vsel vm1, $0x1, v5  }
0xdd: {  	(xrf0) =	vadd.scan.msk.s32 $0xffff, v12;
	_ =	sdelay $0x4  }
0xde: {  	s10 =	sadd.s32 s4, s5  }
0xdf: {  	v11 =	vadd.s32 s10, v11;
	v12, _, _ =	vpop (xrf0)  }
0xe0: {  	v11 =	vadd.s32 v12, v11;
	(v2sf) =	vpush v12, $0xF;
	_ =	sdelay $0x4  }
0xe1: {  	s6 =	sadd.s32 $0x10, s6;
	[tilespmem:v11+s23+$0x0] =	vst.idx.msk vm1, v8  }
0xe2: {  	v8 =	vld [tilespmem:s6+$0x0];
	_ =	sdelay $0x1  }
0xe3: {  	s7 =	sadd.s32 $0x10, s7  }
0xe4: {  	v11 =	vor.u32 s7, v4  }
0xe5: {  	vm1 =	vlt.s32 v11, v7  }
0xe6: {  	v8 =	vnsel vm1, $0x0, v8  }
.Ltmp9:
0xe7: {  	v12 =	vadd.s32 v9, v8;
	v11 =	vadd.s32 v10, v8;
	(pc) =	sbr.rel @p2 .LBB2_10-.Ltmp9, $3  }
0xe8: {  	_ =	sdelay $0x1  }
0xe9: {  	s10 =	spop (v2sf)  }
0xea: {  	s5 =	sadd.s32 s5, s10  }
.Ltmp10:
0xeb: {  	_ = 	snop;
	(pc) =	sbr.rel .LBB2_11-.Ltmp10, $1  }
0xec: {  	_ =	sdelay $0x3  }
.LBB2_13:
0xed: {  	s0 =	simm.s32 $0x0;
	s1 =	simm.s32 $0xC580;
	s3 =	rddreg [dreg:$0x7]  }
0xee: {  	[tilespmem:s1], [sflag:$0x2] =	stream.linear.gather [hbm4b:s3+s0], $0x800, $0x38;
	[tilespmem:$0x16C80] =	vst v63  }
0xef: {  	_ =	swait.ge [sflag:s15], $0x800  }
0xf0: {  	[sflag:s15] =	ssyncset.done $0x0  }
0xf1: {  	[sflag:s15] =	ssyncadd.s32 $0xFFFFF800  }
0xf2: {  	v7 =	vld [tilespmem:s1+$0x0];
	_ =	sdelay $0x4  }
0xf3: {  	v8 =	vshra.s32 v7, $0x4  }
0xf4: {  	vm1 =	veq.s32 v8, v3  }
0xf5: {  	v8 =	vsel vm1, $0x1, v5  }
0xf6: {  	(xrf0) =	vadd.scan.msk.s32 $0xffff, v8;
	_ =	sdelay $0x5  }
0xf7: {  	v9, _, _ =	vpop (xrf0)  }
0xf8: {  	(v2sf) =	vpush v9, $0xF  }
0xf9: {  	v8 =	vsub.s32 v9, v8  }
0xfa: {  	v8 =	vadd.s32 s0, v8;
	_ =	sdelay $0x3  }
0xfb: {  	v9 =	vor.u32 s0, v4  }
0xfc: {  	[tilespmem:v8+s25+$0x0] =	vst.idx.msk vm1, v9  }
0xfd: {  	s1 =	simm.s32 $0xC590;
	[tilespmem:v8+s26+$0x0] =	vst.idx.msk vm1, v7  }
0xfe: {  	v7 =	vld [tilespmem:s1+$0x0];
	_ =	sdelay $0x4  }
0xff: {  	v8 =	vshra.s32 v7, $0x4  }
0x100: {  	vm1 =	veq.s32 v8, v3;
	s17 =	spop (v2sf)  }
0x101: {  	v8 =	vsel vm1, $0x1, v5;
	s0 =	sadd.s32 $0x0, s17  }
0x102: {  	s4 =	simm.s32 $0x20;
	s3 =	simm.s32 $0x10;
	(xrf0) =	vadd.scan.msk.s32 $0xffff, v8;
	p1 =	slt.s32 s0, $0x180  }
.LBB2_14:
0x103: {  	p0 =	sne.s32 s4, $0x7F0  }
0x104: {  	s0 =	simm.s32 @!p1 $0x180;
	s5 =	smov.u32 s4;
	s4 =	sadd.s32 $0x10, s4  }
0x105: {  	_ =	sdelay $0x2  }
0x106: {  	v9, _, _ =	vpop (xrf0)  }
0x107: {  	v8 =	vsub.s32 v9, v8;
	(v2sf) =	vpush v9, $0xF  }
0x108: {  	v8 =	vadd.s32 s0, v8;
	_ =	sdelay $0x3  }
0x109: {  	v9 =	vor.u32 s3, v4;
	s3 =	smov.u32 s5  }
0x10a: {  	[tilespmem:v8+s25+$0x0] =	vst.idx.msk vm1, v9  }
0x10b: {  	s1 =	sadd.s32 $0x10, s1;
	[tilespmem:v8+s26+$0x0] =	vst.idx.msk vm1, v7  }
0x10c: {  	v7 =	vld [tilespmem:s1+$0x0];
	_ =	sdelay $0x4  }
.Ltmp11:
0x10d: {  	v8 =	vshra.s32 v7, $0x4;
	(pc) =	sbr.rel @p0 .LBB2_14-.Ltmp11, $4  }
0x10e: {  	vm1 =	veq.s32 v8, v3  }
0x10f: {  	v8 =	vsel vm1, $0x1, v5;
	s5 =	spop (v2sf)  }
0x110: {  	(xrf0) =	vadd.scan.msk.s32 $0xffff, v8;
	s0 =	sadd.s32 s0, s5  }
0x111: {  	p1 =	slt.s32 s0, $0x180  }
0x112: {  	_ =	sdelay $0x3  }
0x113: {  	v9, _, _ =	vpop (xrf0)  }
0x114: {  	(v2sf) =	vpush v9, $0xF;
	_ =	sdelay $0x5  }
0x115: {  	s0 =	simm.s32 @!p1 $0x180;
	v8 =	vsub.s32 v9, v8  }
0x116: {  	v8 =	vadd.s32 s0, v8;
	_ =	sdelay $0x3  }
0x117: {  	v9 =	vor.u32 s3, v4  }
0x118: {  	[tilespmem:v8+s25+$0x0] =	vst.idx.msk vm1, v9  }
0x119: {  	s14 =	simm.s32 $0xC580;
	s4 =	rddreg [dreg:$0x8];
	[tilespmem:v8+s26+$0x0] =	vst.idx.msk vm1, v7  }
0x11a: {  	[tilespmem:s14], [sflag:$0x2] =	stream.linear.gather [hbm4b:s4+s2], $0x800, $0x38;
	[tilespmem:$0x16C80] =	vst v63  }
0x11b: {  	s1 =	spop (v2sf)  }
0x11c: {  	_ =	swait.ge [sflag:s15], $0x800  }
0x11d: {  	[sflag:s15] =	ssyncset.done $0x0  }
0x11e: {  	[sflag:s15] =	ssyncadd.s32 $0xFFFFF800  }
0x11f: {  	v7 =	vld [tilespmem:s14+$0x0];
	_ =	sdelay $0x4  }
0x120: {  	v8 =	vshra.s32 v7, $0x4  }
0x121: {  	vm1 =	veq.s32 v8, v3  }
0x122: {  	v8 =	vsel vm1, $0x1, v5  }
0x123: {  	(xrf0) =	vadd.scan.msk.s32 $0xffff, v8;
	_ =	sdelay $0x5  }
0x124: {  	s0 =	sadd.s32 s0, s1;
	v9, _, _ =	vpop (xrf0)  }
0x125: {  	p0 =	slt.s32 s0, $0x180;
	(v2sf) =	vpush v9, $0xF  }
0x126: {  	s0 =	simm.s32 @!p0 $0x180;
	v8 =	vsub.s32 v9, v8  }
0x127: {  	v8 =	vadd.s32 s0, v8;
	_ =	sdelay $0x2  }
0x128: {  	s16 =	simm.s32 $0x800  }
0x129: {  	v9 =	vor.u32 s16, v4  }
0x12a: {  	[tilespmem:v8+s25+$0x0] =	vst.idx.msk vm1, v9  }
0x12b: {  	s1 =	simm.s32 $0xC590;
	[tilespmem:v8+s26+$0x0] =	vst.idx.msk vm1, v7  }
0x12c: {  	v7 =	vld [tilespmem:s1+$0x0];
	_ =	sdelay $0x4  }
0x12d: {  	v8 =	vshra.s32 v7, $0x4  }
0x12e: {  	vm1 =	veq.s32 v8, v3;
	s17 =	spop (v2sf)  }
0x12f: {  	v8 =	vsel vm1, $0x1, v5;
	s0 =	sadd.s32 s0, s17  }
0x130: {  	s3 =	simm.s32 $0x810;
	s4 =	simm.s32 $0x820;
	(xrf0) =	vadd.scan.msk.s32 $0xffff, v8;
	p1 =	slt.s32 s0, $0x180  }
.LBB2_16:
0x131: {  	p0 =	sne.s32 s4, $0xFF0  }
0x132: {  	s0 =	simm.s32 @!p1 $0x180;
	s5 =	smov.u32 s4;
	s4 =	sadd.s32 $0x10, s4  }
0x133: {  	_ =	sdelay $0x2  }
0x134: {  	v9, _, _ =	vpop (xrf0)  }
0x135: {  	v8 =	vsub.s32 v9, v8;
	(v2sf) =	vpush v9, $0xF  }
0x136: {  	v8 =	vadd.s32 s0, v8;
	_ =	sdelay $0x3  }
0x137: {  	v9 =	vor.u32 s3, v4;
	s3 =	smov.u32 s5  }
0x138: {  	[tilespmem:v8+s25+$0x0] =	vst.idx.msk vm1, v9  }
0x139: {  	s1 =	sadd.s32 $0x10, s1;
	[tilespmem:v8+s26+$0x0] =	vst.idx.msk vm1, v7  }
0x13a: {  	v7 =	vld [tilespmem:s1+$0x0];
	_ =	sdelay $0x4  }
.Ltmp12:
0x13b: {  	v8 =	vshra.s32 v7, $0x4;
	(pc) =	sbr.rel @p0 .LBB2_16-.Ltmp12, $4  }
0x13c: {  	vm1 =	veq.s32 v8, v3  }
0x13d: {  	v8 =	vsel vm1, $0x1, v5;
	s5 =	spop (v2sf)  }
0x13e: {  	(xrf0) =	vadd.scan.msk.s32 $0xffff, v8;
	s0 =	sadd.s32 s0, s5  }
0x13f: {  	p1 =	slt.s32 s0, $0x180  }
0x140: {  	_ =	sdelay $0x3  }
0x141: {  	v9, _, _ =	vpop (xrf0)  }
0x142: {  	(v2sf) =	vpush v9, $0xF;
	_ =	sdelay $0x5  }
0x143: {  	s0 =	simm.s32 @!p1 $0x180;
	v8 =	vsub.s32 v9, v8  }
0x144: {  	v8 =	vadd.s32 s0, v8;
	_ =	sdelay $0x3  }
0x145: {  	v9 =	vor.u32 s3, v4  }
0x146: {  	[tilespmem:v8+s25+$0x0] =	vst.idx.msk vm1, v9  }
0x147: {  	s14 =	simm.s32 $0xC580;
	s4 =	rddreg [dreg:$0x9];
	[tilespmem:v8+s26+$0x0] =	vst.idx.msk vm1, v7  }
0x148: {  	[tilespmem:s14], [sflag:$0x2] =	stream.linear.gather [hbm4b:s4+s2], $0x800, $0x38;
	[tilespmem:$0x16C80] =	vst v63  }
0x149: {  	s1 =	spop (v2sf)  }
0x14a: {  	_ =	swait.ge [sflag:s15], $0x800  }
0x14b: {  	[sflag:s15] =	ssyncset.done $0x0  }
0x14c: {  	[sflag:s15] =	ssyncadd.s32 $0xFFFFF800  }
0x14d: {  	v7 =	vld [tilespmem:s14+$0x0];
	_ =	sdelay $0x4  }
0x14e: {  	v8 =	vshra.s32 v7, $0x4  }
0x14f: {  	vm1 =	veq.s32 v8, v3  }
0x150: {  	v8 =	vsel vm1, $0x1, v5  }
0x151: {  	(xrf0) =	vadd.scan.msk.s32 $0xffff, v8;
	_ =	sdelay $0x5  }
0x152: {  	s0 =	sadd.s32 s0, s1;
	v9, _, _ =	vpop (xrf0)  }
0x153: {  	p0 =	slt.s32 s0, $0x180;
	(v2sf) =	vpush v9, $0xF  }
0x154: {  	s0 =	simm.s32 @!p0 $0x180;
	v8 =	vsub.s32 v9, v8  }
0x155: {  	v8 =	vadd.s32 s0, v8;
	_ =	sdelay $0x2  }
0x156: {  	s16 =	simm.s32 $0x1000  }
0x157: {  	v9 =	vor.u32 s16, v4  }
0x158: {  	[tilespmem:v8+s25+$0x0] =	vst.idx.msk vm1, v9  }
0x159: {  	s1 =	simm.s32 $0xC590;
	[tilespmem:v8+s26+$0x0] =	vst.idx.msk vm1, v7  }
0x15a: {  	v7 =	vld [tilespmem:s1+$0x0];
	_ =	sdelay $0x4  }
0x15b: {  	v8 =	vshra.s32 v7, $0x4  }
0x15c: {  	vm1 =	veq.s32 v8, v3;
	s17 =	spop (v2sf)  }
0x15d: {  	v8 =	vsel vm1, $0x1, v5;
	s0 =	sadd.s32 s0, s17  }
0x15e: {  	s3 =	simm.s32 $0x1010;
	s4 =	simm.s32 $0x1020;
	(xrf0) =	vadd.scan.msk.s32 $0xffff, v8;
	p1 =	slt.s32 s0, $0x180  }
.LBB2_18:
0x15f: {  	p0 =	sne.s32 s4, $0x17F0  }
0x160: {  	s0 =	simm.s32 @!p1 $0x180;
	s5 =	smov.u32 s4;
	s4 =	sadd.s32 $0x10, s4  }
0x161: {  	_ =	sdelay $0x2  }
0x162: {  	v9, _, _ =	vpop (xrf0)  }
0x163: {  	v8 =	vsub.s32 v9, v8;
	(v2sf) =	vpush v9, $0xF  }
0x164: {  	v8 =	vadd.s32 s0, v8;
	_ =	sdelay $0x3  }
0x165: {  	v9 =	vor.u32 s3, v4;
	s3 =	smov.u32 s5  }
0x166: {  	[tilespmem:v8+s25+$0x0] =	vst.idx.msk vm1, v9  }
0x167: {  	s1 =	sadd.s32 $0x10, s1;
	[tilespmem:v8+s26+$0x0] =	vst.idx.msk vm1, v7  }
0x168: {  	v7 =	vld [tilespmem:s1+$0x0];
	_ =	sdelay $0x4  }
.Ltmp13:
0x169: {  	v8 =	vshra.s32 v7, $0x4;
	(pc) =	sbr.rel @p0 .LBB2_18-.Ltmp13, $4  }
0x16a: {  	vm1 =	veq.s32 v8, v3  }
0x16b: {  	v8 =	vsel vm1, $0x1, v5;
	s5 =	spop (v2sf)  }
0x16c: {  	(xrf0) =	vadd.scan.msk.s32 $0xffff, v8;
	s0 =	sadd.s32 s0, s5  }
0x16d: {  	p1 =	slt.s32 s0, $0x180  }
0x16e: {  	_ =	sdelay $0x3  }
0x16f: {  	v9, _, _ =	vpop (xrf0)  }
0x170: {  	(v2sf) =	vpush v9, $0xF;
	_ =	sdelay $0x5  }
0x171: {  	s0 =	simm.s32 @!p1 $0x180;
	v8 =	vsub.s32 v9, v8  }
0x172: {  	v8 =	vadd.s32 s0, v8;
	_ =	sdelay $0x3  }
0x173: {  	v9 =	vor.u32 s3, v4  }
0x174: {  	[tilespmem:v8+s25+$0x0] =	vst.idx.msk vm1, v9  }
0x175: {  	s14 =	simm.s32 $0xC580;
	s4 =	rddreg [dreg:$0xa];
	[tilespmem:v8+s26+$0x0] =	vst.idx.msk vm1, v7  }
0x176: {  	[tilespmem:s14], [sflag:$0x2] =	stream.linear.gather [hbm4b:s4+s2], $0x800, $0x38;
	[tilespmem:$0x16C80] =	vst v63  }
0x177: {  	s1 =	spop (v2sf)  }
0x178: {  	_ =	swait.ge [sflag:s15], $0x800  }
0x179: {  	[sflag:s15] =	ssyncset.done $0x0  }
0x17a: {  	[sflag:s15] =	ssyncadd.s32 $0xFFFFF800  }
0x17b: {  	v7 =	vld [tilespmem:s14+$0x0];
	_ =	sdelay $0x4  }
0x17c: {  	v8 =	vshra.s32 v7, $0x4  }
0x17d: {  	vm1 =	veq.s32 v8, v3  }
0x17e: {  	v8 =	vsel vm1, $0x1, v5  }
0x17f: {  	(xrf0) =	vadd.scan.msk.s32 $0xffff, v8;
	_ =	sdelay $0x5  }
0x180: {  	s0 =	sadd.s32 s0, s1;
	v9, _, _ =	vpop (xrf0)  }
0x181: {  	p0 =	slt.s32 s0, $0x180;
	(v2sf) =	vpush v9, $0xF  }
0x182: {  	s0 =	simm.s32 @!p0 $0x180;
	v8 =	vsub.s32 v9, v8  }
0x183: {  	v8 =	vadd.s32 s0, v8;
	_ =	sdelay $0x2  }
0x184: {  	s16 =	simm.s32 $0x1800  }
0x185: {  	v9 =	vor.u32 s16, v4  }
0x186: {  	[tilespmem:v8+s25+$0x0] =	vst.idx.msk vm1, v9  }
0x187: {  	s1 =	simm.s32 $0xC590;
	[tilespmem:v8+s26+$0x0] =	vst.idx.msk vm1, v7  }
0x188: {  	v7 =	vld [tilespmem:s1+$0x0];
	_ =	sdelay $0x4  }
0x189: {  	v8 =	vshra.s32 v7, $0x4  }
0x18a: {  	vm1 =	veq.s32 v8, v3;
	s17 =	spop (v2sf)  }
0x18b: {  	v8 =	vsel vm1, $0x1, v5;
	s0 =	sadd.s32 s0, s17  }
0x18c: {  	s3 =	simm.s32 $0x1810;
	s4 =	simm.s32 $0x1820;
	(xrf0) =	vadd.scan.msk.s32 $0xffff, v8;
	p1 =	slt.s32 s0, $0x180  }
.LBB2_20:
0x18d: {  	p0 =	seq.s32 s4, $0x1FF0  }
0x18e: {  	s0 =	simm.s32 @!p1 $0x180;
	s5 =	smov.u32 s4;
	s4 =	sadd.s32 $0x10, s4  }
0x18f: {  	_ =	sdelay $0x2  }
0x190: {  	v9, _, _ =	vpop (xrf0)  }
0x191: {  	v8 =	vsub.s32 v9, v8;
	(v2sf) =	vpush v9, $0xF  }
0x192: {  	v8 =	vadd.s32 s0, v8;
	_ =	sdelay $0x3  }
0x193: {  	v9 =	vor.u32 s3, v4;
	s3 =	smov.u32 s5  }
0x194: {  	[tilespmem:v8+s25+$0x0] =	vst.idx.msk vm1, v9  }
0x195: {  	s1 =	sadd.s32 $0x10, s1;
	[tilespmem:v8+s26+$0x0] =	vst.idx.msk vm1, v7  }
0x196: {  	v7 =	vld [tilespmem:s1+$0x0];
	_ =	sdelay $0x4  }
.Ltmp14:
0x197: {  	v8 =	vshra.s32 v7, $0x4;
	(pc) =	sbr.rel @!p0 .LBB2_20-.Ltmp14, $4  }
0x198: {  	vm1 =	veq.s32 v8, v3  }
0x199: {  	v8 =	vsel vm1, $0x1, v5;
	s5 =	spop (v2sf)  }
0x19a: {  	(xrf0) =	vadd.scan.msk.s32 $0xffff, v8;
	s0 =	sadd.s32 s0, s5  }
0x19b: {  	p1 =	slt.s32 s0, $0x180  }
0x19c: {  	_ =	sdelay $0x3  }
0x19d: {  	v9, _, _ =	vpop (xrf0)  }
0x19e: {  	(v2sf) =	vpush v9, $0xF;
	_ =	sdelay $0xe  }
0x19f: {  	s0 =	simm.s32 @!p1 $0x180;
	s1 =	spop (v2sf)  }
0x1a0: {  	v63 =	vor.u32 s3, v4;
	v8 =	vsub.s32 v9, v8;
	s3 =	sadd.s32 s0, s1  }
0x1a1: {  	v8 =	vadd.s32 s0, v8;
	p0 =	slt.s32 s3, $0x180;
	s0 =	smov.u32 s3  }
0x1a2: {  	s0 =	simm.s32 @!p0 $0x180;
	p0 =	sgt.s32 s3, $0x0  }
.Ltmp15:
0x1a3: {  	_ = 	snop;
	(pc) =	sbr.rel @p0 .LBB2_22-.Ltmp15, $3  }
0x1a4: {  	_ =	sdelay $0x1  }
0x1a5: {  	[tilespmem:v8+s25+$0x0] =	vst.idx.msk vm1, v63  }
0x1a6: {  	s16 =	simm.s32 $0x0;
	[tilespmem:v8+s26+$0x0] =	vst.idx.msk vm1, v7;
	s1 =	simm.s32 $0x0  }
.LBB2_29:
0x1a7: {  	s4 =	sadd.s32 $0xF, s1  }
0x1a8: {  	s5 =	sand.u32 $0xF, s4  }
0x1a9: {  	p0 =	slt.s32 s1, $0xFFFFFFF2;
	s6 =	sshra.s32 s4, $0x1F;
	p1 =	sne.s32 s5, $0x0  }
0x1aa: {  	s17 =	sshrl.u32 s6, $0x1C;
	p0 =	por !p0, !p1  }
0x1ab: {  	s5 =	simm.s32 $0x1;
	s4 =	sadd.s32 s17, s4;
	p0 =	por !p0, !p0  }
0x1ac: {  	s4 =	sshra.s32 s4, $0x4;
	s5 =	simm.s32 @!p0 $0x0  }
0x1ad: {  	s4 =	ssub.s32 s4, s5  }
0x1ae: {  	p0 =	slt.s32 s4, $0x1  }
.Ltmp16:
0x1af: {  	_ = 	snop;
	(pc) =	sbr.rel @p0 .LBB2_32-.Ltmp16, $1  }
0x1b0: {  	_ =	sdelay $0x3  }
0x1b1: {  	s5 =	simm.s32 $0x16980  }
0x1b2: {  	v7 =	vmov s1;
	s6 =	simm.s32 $0x16B00;
	s7 =	simm.s32 $0x16800;
	s8 =	simm.s32 $0x0  }
.LBB2_31:
0x1b3: {  	v8 =	vld [tilespmem:s6+$0x0];
	_ =	sdelay $0x2  }
0x1b4: {  	v9 =	vor.u32 s8, v4  }
0x1b5: {  	vm1 =	vlt.s32 v9, v7  }
0x1b6: {  	v55 =	vld [tilespmem:s5+$0x0];
	v8 =	vnsel vm1, $0x0, v8;
	_ =	sdelay $0x4  }
0x1b7: {  	v9 =	vnsel vm1, $0x0, v55;
	v8 =	vld.idx.msk [tilespmem:v8+s25+$0x0], $0xffff  }
0x1b8: {  	v12 =	vadd.s32 $0x400, v9  }
0x1b9: {  	v13 =	vadd.s32 $0x800, v9  }
0x1ba: {  	v14 =	vadd.s32 $0xC00, v9;
	_ =	sdelay $0x1  }
0x1bb: {  	v16 =	vld.idx.msk [tilespmem:v9+s2+$0x0], $0xffff;
	v10 =	vadd.s32 $0x2000, v8  }
0x1bc: {  	v15 =	vadd.s32 $0x1000, v9;
	v12 =	vld.idx.msk [tilespmem:v12+s2+$0x0], $0xffff  }
0x1bd: {  	v13 =	vld.idx.msk [tilespmem:v13+s2+$0x0], $0xffff;
	v11 =	vadd.s32 $0x4000, v8  }
0x1be: {  	v14 =	vld.idx.msk [tilespmem:v14+s2+$0x0], $0xffff  }
0x1bf: {  	v17 =	vadd.s32 $0x1400, v9;
	v8 =	vld.idx.msk [tilespmem:v8+s18+$0x0], $0xffff  }
0x1c0: {  	v10 =	vld.idx.msk [tilespmem:v10+s18+$0x0], $0xffff  }
0x1c1: {  	v15 =	vld.idx.msk [tilespmem:v15+s2+$0x0], $0xffff  }
0x1c2: {  	v18 =	vadd.s32 $0x1800, v9;
	v11 =	vld.idx.msk [tilespmem:v11+s18+$0x0], $0xffff;
	_ =	sdelay $0x1  }
0x1c3: {  	v17 =	vld.idx.msk [tilespmem:v17+s2+$0x0], $0xffff;
	v8 =	vsub.f32 v8, v16  }
0x1c4: {  	v56 =	vadd.s32 $0x1C00, v9;
	v10 =	vsub.f32 v10, v12  }
0x1c5: {  	v14 =	vmul.f32 v14, v8  }
0x1c6: {  	v58 =	vadd.s32 $0x2000, v9;
	v59 =	vld.idx.msk [tilespmem:v18+s2+$0x0], $0xffff;
	v11 =	vsub.f32 v11, v13;
	v57 =	vmul.f32 v15, v10  }
0x1c7: {  	v14 =	vmul.f32 v14, v8  }
0x1c8: {  	v17 =	vmul.f32 v17, v11;
	v13 =	vmul.f32 v57, v10  }
0x1c9: {  	v12 =	vld.idx.msk [tilespmem:v56+s2+$0x0], $0xffff  }
0x1ca: {  	v60 =	vmul.f32 v17, v11;
	v13 =	vadd.f32 v13, v14  }
0x1cb: {  	v61 =	vmul.f32 v59, v8;
	v15 =	vld.idx.msk [tilespmem:v58+s2+$0x0], $0xffff  }
0x1cc: {  	v13 =	vadd.f32 v60, v13  }
0x1cd: {  	v14 =	vmul.f32 v61, v10  }
0x1ce: {  	v10 =	vmul.f32 v12, v10;
	v13 =	vmul.f32 $-5.000000000e-01, v13;
	_ =	sdelay $0x1  }
0x1cf: {  	v8 =	vmul.f32 v15, v8;
	v10 =	vmul.f32 v10, v11;
	v62 =	vsub.f32 v13, v14;
	_ =	sdelay $0x1  }
0x1d0: {  	v8 =	vmul.f32 v8, v11;
	v10 =	vsub.f32 v62, v10;
	_ =	sdelay $0x1  }
0x1d1: {  	v8 =	vsub.f32 v10, v8;
	_ =	sdelay $0x1  }
0x1d2: {  	v8 =	vmul.f32 $1.442695020e+00, v8;
	_ =	sdelay $0x1  }
0x1d3: {  	v9 =	vadd.s32 $0x2400, v9;
	(erf) = vpow2.f32 v8;
	_ =	sdelay $0x4  }
0x1d4: {  	v8 =	vld.idx.msk [tilespmem:v9+s2+$0x0], $0xffff;
	_ =	sdelay $0x1  }
0x1d5: {  	p0 =	seq.s32 s4, $0x1  }
.Ltmp17:
0x1d6: {  	_ = 	snop;
	(pc) =	sbr.rel @!p0 .LBB2_31-.Ltmp17, $4  }
0x1d7: {  	v63 =	vpop (erf)  }
0x1d8: {  	v8 =	vmul.f32 v63, v8  }
0x1d9: {  	s5 =	sadd.s32 $0x10, s5;
	s6 =	sadd.s32 $0x10, s6  }
0x1da: {  	s8 =	sadd.s32 $0x10, s8;
	s4 =	sadd.s32 $0xFFFFFFFF, s4;
	[tilespmem:s7+$0x0] =	vst v8;
	s7 =	sadd.s32 $0x10, s7  }
.LBB2_32:
0x1db: {  	p0 =	sgt.s32 s1, $0x0  }
.Ltmp18:
0x1dc: {  	_ = 	snop;
	(pc) =	sbr.rel @!p0 .LBB2_36-.Ltmp18, $1  }
0x1dd: {  	_ =	sdelay $0x3  }
0x1de: {  	s5 =	simm.s32 $0x16980  }
0x1df: {  	v7 =	vld [tilespmem:s5+$0x0]  }
0x1e0: {  	s4 =	simm.s32 $0x16B00  }
0x1e1: {  	v8 =	vld [tilespmem:s4+$0x0];
	_ =	sdelay $0x2  }
0x1e2: {  	(v2sf) =	vpush v7, $0x0;
	_ =	sdelay $0x1  }
0x1e3: {  	(v2sf) =	vpush v8, $0x0;
	_ =	sdelay $0xc  }
0x1e4: {  	s8 =	spop (v2sf)  }
0x1e5: {  	s6 =	simm.s32 $0x16800;
	s7 =	sshll.u32 s8, $0x6  }
0x1e6: {  	v7 =	vld.msk [tilespmem:s6+$0x0 ss:$0x0], $0xffff;
	s10 =	spop (v2sf);
	s7 =	sshra.s32 s7, $0x2  }
0x1e7: {  	s10 =	sshll.u32 s10, $0x7;
	v8 =	vld [tilespmem:s7+$0x3880]  }
0x1e8: {  	s7 =	sshra.s32 s10, $0x2  }
0x1e9: {  	v9 =	vld [tilespmem:s7+$0x13780];
	_ =	sdelay $0x2  }
0x1ea: {  	v8 =	vmul.f32 v8, v7;
	_ =	sdelay $0x1  }
0x1eb: {  	v8 =	vadd.f32 v8, v9  }
0x1ec: {  	s8 =	sshll.u32 s8, $0x5  }
0x1ed: {  	s8 =	sshra.s32 s8, $0x2;
	[tilespmem:s7+$0x13780] =	vst v8  }
0x1ee: {  	v8 =	vld [tilespmem:s8+$0x7880];
	_ =	sdelay $0x2  }
0x1ef: {  	p0 =	seq.s32 s1, $0x1;
	v63 =	vld [tilespmem:s7+$0x13790]  }
.Ltmp19:
0x1f0: {  	_ = 	snop;
	(pc) =	sbr.rel @p0 .LBB2_35-.Ltmp19, $3  }
0x1f1: {  	v8 =	vnsel vm0, $0x0, v8  }
0x1f2: {  	v7 =	vmul.f32 v8, v7;
	_ =	sdelay $0x1  }
0x1f3: {  	s1 =	sadd.s32 $0xFFFFFFFF, s1;
	v7 =	vadd.f32 v7, v63  }
.LBB2_34:
0x1f4: {  	_ = 	snop  }
0x1f5: {  	s4 =	sadd.s32 $0x1, s4;
	s5 =	sadd.s32 $0x1, s5;
	s6 =	sadd.s32 $0x1, s6;
	[tilespmem:s7+$0x13790] =	vst v7  }
0x1f6: {  	p0 =	seq.s32 s1, $0x1;
	s1 =	sadd.s32 $0xFFFFFFFF, s1;
	v7 =	vld [tilespmem:s5+$0x0];
	_ =	sdelay $0x1  }
0x1f7: {  	v8 =	vld [tilespmem:s4+$0x0];
	_ =	sdelay $0x2  }
0x1f8: {  	(v2sf) =	vpush v7, $0x0;
	_ =	sdelay $0x1  }
0x1f9: {  	(v2sf) =	vpush v8, $0x0;
	_ =	sdelay $0xc  }
0x1fa: {  	s7 =	spop (v2sf)  }
0x1fb: {  	s8 =	sshll.u32 s7, $0x6;
	s10 =	sshll.u32 s7, $0x5  }
0x1fc: {  	s7 =	sshra.s32 s8, $0x2;
	v7 =	vld.msk [tilespmem:s6+$0x0 ss:$0x0], $0xffff;
	s8 =	spop (v2sf)  }
0x1fd: {  	s8 =	sshll.u32 s8, $0x7;
	v8 =	vld [tilespmem:s7+$0x3880]  }
0x1fe: {  	s7 =	sshra.s32 s8, $0x2  }
0x1ff: {  	v9 =	vld [tilespmem:s7+$0x13780];
	_ =	sdelay $0x2  }
0x200: {  	v8 =	vmul.f32 v8, v7;
	_ =	sdelay $0x1  }
0x201: {  	v8 =	vadd.f32 v8, v9;
	_ =	sdelay $0x1  }
0x202: {  	s8 =	sshra.s32 s10, $0x2;
	[tilespmem:s7+$0x13780] =	vst v8  }
0x203: {  	v8 =	vld [tilespmem:s8+$0x7880];
	_ =	sdelay $0x2  }
0x204: {  	v9 =	vld [tilespmem:s7+$0x13790]  }
.Ltmp20:
0x205: {  	(pc) =	sbr.rel @!p0 .LBB2_34-.Ltmp20, $3  }
0x206: {  	v8 =	vnsel vm0, $0x0, v8  }
0x207: {  	v7 =	vmul.f32 v8, v7;
	_ =	sdelay $0x1  }
0x208: {  	v7 =	vadd.f32 v7, v9  }
.LBB2_35:
0x209: {  	_ = 	snop  }
0x20a: {  	[tilespmem:s7+$0x13790] =	vst v7  }
.LBB2_36:
0x20b: {  	p0 =	slt.s32 s3, $0x1  }
.Ltmp21:
0x20c: {  	_ = 	snop;
	(pc) =	sbr.rel @p0 .LBB2_45-.Ltmp21, $1  }
0x20d: {  	_ =	sdelay $0x3  }
0x20e: {  	p0 =	sne.s32 s0, $0x1  }
.Ltmp22:
0x20f: {  	_ = 	snop;
	(pc) =	sbr.rel @!p0 .LBB2_38-.Ltmp22, $3  }
0x210: {  	_ =	sdelay $0x1  }
0x211: {  	s3 =	simm.s32 $0x13380  }
0x212: {  	s1 =	simm.s32 $0x13780;
	s0 =	sadd.s32 $0xFFFFFFFF, s0;
	p1 =	por $0x0, $0x0;
	v7 =	vld [tilespmem:s3+$0x0]  }
0x213: {  	_ =	sdelay $0x3  }
0x214: {  	(v2sf) =	vpush v7, $0x0;
	_ =	sdelay $0xe  }
0x215: {  	p2 =	sne.s32 s0, $0x1;
	s3 =	spop (v2sf)  }
.Ltmp23:
0x216: {  	s3 =	sshll.u32 s3, $0x2;
	(pc) =	sbr.rel @!p2 .LBB2_40-.Ltmp23, $4  }
0x217: {  	s3 =	sand.u32 $0x1FFFFFFC, s3  }
0x218: {  	s4 =	simm.s32 $0x13381;
	s3 =	sadd.s32 s9, s3  }
0x219: {  	[hbm4b:s3+s2] =	stream.linear.scatter [tilespmem:s1], [sflag:$0x1], $0x20, $0x38;
	[tilespmem:$0x16C80] =	vst v63  }
0x21a: {  	s5 =	sadd.s32 $0xFFFFFFFF, s0;
	p1 =	por $0x1, $0x1;
	s3 =	simm.s32 $0x13780;
	v7 =	vld [tilespmem:s4+$0x0]  }
.LBB2_41:
0x21b: {  	p2 =	sne.s32 s5, $0x1;
	_ =	sdelay $0x3  }
0x21c: {  	(v2sf) =	vpush v7, $0x0;
	_ =	sdelay $0xe  }
0x21d: {  	s6 =	spop (v2sf)  }
.Ltmp24:
0x21e: {  	s6 =	sshll.u32 s6, $0x2;
	(pc) =	sbr.rel @p2 .LBB2_41-.Ltmp24, $4  }
0x21f: {  	s6 =	sand.u32 $0x1FFFFFFC, s6  }
0x220: {  	s4 =	sadd.s32 $0x1, s4;
	s3 =	sadd.s32 $0x20, s3;
	s6 =	sadd.s32 s9, s6  }
0x221: {  	[hbm4b:s6+s2] =	stream.linear.scatter [tilespmem:s3], [sflag:$0x1], $0x20, $0x38;
	[tilespmem:$0x16C80] =	vst v63  }
0x222: {  	s5 =	sadd.s32 $0xFFFFFFFF, s5;
	v7 =	vld [tilespmem:s4+$0x0]  }
.LBB2_42:
0x223: {  	_ =	sdelay $0x3  }
0x224: {  	(v2sf) =	vpush v7, $0x0;
	_ =	sdelay $0xe  }
0x225: {  	s4 =	spop (v2sf)  }
0x226: {  	s4 =	sshll.u32 s4, $0x2  }
.Ltmp25:
0x227: {  	s3 =	sadd.s32 @p1 $0x20, s3;
	s4 =	sand.u32 $0x1FFFFFFC, s4;
	(pc) =	sbr.rel @!p0 .LBB2_44-.Ltmp25, $4  }
0x228: {  	s1 =	smov.u32 @p1 s3;
	s4 =	sadd.s32 s9, s4  }
0x229: {  	[hbm4b:s4+s2] =	stream.linear.scatter [tilespmem:s1], [sflag:$0x1], $0x20, $0x38;
	[tilespmem:$0x16C80] =	vst v63  }
0x22a: {  	_ =	swait.ge [sflag:s20], $0x20  }
0x22b: {  	[sflag:s20] =	ssyncset.done $0x0  }
.LBB2_43:
0x22c: {  	p0 =	sne.s32 s0, $0x1;
	s0 =	sadd.s32 $0xFFFFFFFF, s0;
	[sflag:s20] =	ssyncadd.s32 $0xFFFFFFE0  }
.Ltmp26:
0x22d: {  	(pc) =	sbr.rel @p0 .LBB2_43-.Ltmp26, $3  }
0x22e: {  	_ =	sdelay $0x1  }
0x22f: {  	_ =	swait.ge [sflag:s20], $0x20  }
0x230: {  	[sflag:s20] =	ssyncset.done $0x0  }
.Ltmp27:
0x231: {  	_ = 	snop;
	(pc) =	sbr.rel .LBB2_44-.Ltmp27, $1  }
0x232: {  	_ =	sdelay $0x3  }
.LBB2_24:
0x233: {  	_ = 	snop  }
.LBB2_27:
0x234: {  	_ =	sdelay $0x3  }
0x235: {  	v12 =	vld.idx.msk [tilespmem:v11+s28+$0x0], $0xffff  }
0x236: {  	v15 =	vld.idx.msk [tilespmem:v15+s28+$0x0], $0xffff  }
0x237: {  	v14 =	vld.idx.msk [tilespmem:v14+s28+$0x0], $0xffff;
	_ =	sdelay $0x1  }
0x238: {  	v13 =	vld.idx.msk [tilespmem:v13+s28+$0x0], $0xffff;
	_ =	sdelay $0x1  }
0x239: {  	v9 =	vsub.s32 v9, v12;
	v10 =	vsub.s32 v10, v15  }
0x23a: {  	v8 =	vsub.s32 v8, v14;
	v12 =	vsub.s32 $0x0, v9;
	v15 =	vsub.s32 $0x0, v10  }
0x23b: {  	v62 =	vsub.s32 $0x0, v8;
	v9 =	vmin.u32 v9, v12;
	v10 =	vmin.u32 v10, v15  }
0x23c: {  	v8 =	vmin.u32 v8, v62;
	vm2 =	vle.s32 v9, v13;
	vm3 =	vle.s32 v10, v13  }
0x23d: {  	vm2 =	vmand vm2, vm3;
	vm3 =	vle.s32 v8, v13  }
0x23e: {  	vm2 =	vmand vm2, vm3  }
0x23f: {  	vm1 =	vmand vm1, vm2  }
0x240: {  	v8 =	vsel vm1, $0x1, v5  }
0x241: {  	(xrf0) =	vadd.scan.msk.s32 $0xffff, v8;
	_ =	sdelay $0x5  }
0x242: {  	v63, _, _ =	vpop (xrf0)  }
0x243: {  	(v2sf) =	vpush v63, $0xF;
	_ =	sdelay $0x8  }
0x244: {  	p1 =	por !p2, !p0  }
0x245: {  	s4 =	simm.s32 @p1 $0x140  }
0x246: {  	s1 =	smov.u32 @p0 s4;
	v8 =	vsub.s32 v63, v8  }
0x247: {  	v8 =	vadd.s32 s1, v8;
	_ =	sdelay $0x2  }
0x248: {  	s17 =	spop (v2sf)  }
0x249: {  	s1 =	sadd.s32 s1, s17  }
0x24a: {  	[tilespmem:v8+s29+$0x0] =	vst.idx.msk vm1, v11;
	p0 =	slt.s32 s1, $0x140  }
0x24b: {  	[tilespmem:v8+s30+$0x0] =	vst.idx.msk vm1, v7;
	s1 =	simm.s32 @!p0 $0x140  }
.LBB2_28:
0x24c: {  	s16 =	sadd.s32 $0x1, s16  }
0x24d: {  	p0 =	sne.s32 s16, s0  }
.Ltmp28:
0x24e: {  	_ = 	snop;
	(pc) =	sbr.rel @!p0 .LBB2_29-.Ltmp28, $1  }
0x24f: {  	_ =	sdelay $0x3  }
.LBB2_22:
0x250: {  	v7 =	vld [tilespmem:s16+$0x13380]  }
0x251: {  	v8 =	vld [tilespmem:s16+$0x13580];
	_ =	sdelay $0x3  }
0x252: {  	(v2sf) =	vpush v7, $0x0  }
0x253: {  	(v2sf) =	vpush v8, $0x0;
	_ =	sdelay $0xd  }
0x254: {  	s5 =	spop (v2sf)  }
0x255: {  	s4 =	spop (v2sf)  }
0x256: {  	s4 =	ssub.s32 s4, s13  }
0x257: {  	v7 =	vld [tilespmem:s4+$0x13300];
	_ =	sdelay $0x4  }
0x258: {  	(v2sf) =	vpush v7, $0x0;
	_ =	sdelay $0xe  }
0x259: {  	s6 =	spop (v2sf)  }
0x25a: {  	s6 =	sadd.s32 $0xF, s6  }
0x25b: {  	s7 =	sand.u32 $0xF, s6  }
0x25c: {  	s8 =	sshra.s32 s6, $0x1F;
	p0 =	slt.s32 s6, $0x1;
	p1 =	sne.s32 s7, $0x0  }
0x25d: {  	s12 =	sshrl.u32 s8, $0x1C;
	p0 =	por !p0, !p1  }
0x25e: {  	v8 =	vld [tilespmem:s5+$0xCD80];
	s7 =	simm.s32 $0x1;
	s6 =	sadd.s32 s12, s6;
	p0 =	por !p0, !p0  }
0x25f: {  	v9 =	vld [tilespmem:s5+$0xED80];
	s6 =	sshra.s32 s6, $0x4;
	s7 =	simm.s32 @!p0 $0x0  }
0x260: {  	v10 =	vld [tilespmem:s5+$0x10D80];
	s5 =	ssub.s32 s6, s7  }
0x261: {  	p0 =	slt.s32 s5, $0x1  }
.Ltmp29:
0x262: {  	_ = 	snop;
	(pc) =	sbr.rel @p0 .LBB2_28-.Ltmp29, $4  }
0x263: {  	s14 =	sshll.u32 s16, $0x7  }
0x264: {  	s17 =	sshra.s32 s14, $0x2  }
0x265: {  	[tilespmem:s17+$0x13780] =	vst v6  }
0x266: {  	[tilespmem:s17+$0x13790] =	vst v6  }
0x267: {  	(v2sf) =	vpush v10, $0x0  }
0x268: {  	(v2sf) =	vpush v9, $0x0  }
0x269: {  	(v2sf) =	vpush v8, $0x0;
	_ =	sdelay $0xc  }
0x26a: {  	s6 =	spop (v2sf)  }
0x26b: {  	s7 =	spop (v2sf)  }
0x26c: {  	s7 =	smul.f32 $1.280000000e+02, s7;
	s8 =	spop (v2sf)  }
0x26d: {  	s8 =	smul.f32 $1.280000000e+02, s8  }
0x26e: {  	s6 =	smul.f32 $1.280000000e+02, s6;
	s10 =	scvt.f32.s32 s7  }
0x26f: {  	s4 =	smul.u32 $0x140, s4;
	s11 =	scvt.f32.s32 s8  }
0x270: {  	s12 =	scvt.f32.s32 s6;
	s14 =	scvt.s32.f32 s10  }
0x271: {  	s4 =	sshra.s32 s4, $0x2;
	s17 =	scvt.s32.f32 s11  }
0x272: {  	s4 =	sadd.s32 $0x12E00, s4;
	p0 =	slt.f32 s7, s14;
	s14 =	scvt.s32.f32 s12  }
0x273: {  	v11 =	vld [tilespmem:s4+$0x0];
	p1 =	slt.f32 s8, s17;
	s8 =	simm.s32 $0x1  }
0x274: {  	s8 =	simm.s32 @!p0 $0x0;
	p0 =	slt.f32 s6, s14;
	s6 =	simm.s32 $0x1  }
0x275: {  	v12 =	vbroadcast v7, $0x0;
	s17 =	simm.s32 $0x0;
	s6 =	simm.s32 @!p1 $0x0;
	p1 =	sne.s32 s5, $0x1  }
.Ltmp30:
0x276: {  	v7 =	vor.u32 s17, v4;
	(pc) =	sbr.rel @!p1 .LBB2_24-.Ltmp30, $4  }
0x277: {  	s7 =	simm.s32 $0x1;
	vm1 =	vlt.s32 v7, v12  }
0x278: {  	s8 =	ssub.s32 s10, s8;
	v7 =	vmov s16;
	s6 =	ssub.s32 s11, s6;
	s7 =	simm.s32 @!p0 $0x0;
	v11 =	vnsel vm1, $0x0, v11  }
0x279: {  	v10 =	vmov s8;
	s7 =	ssub.s32 s12, s7;
	v9 =	vmov s6;
	v15 =	vadd.s32 $0x400, v11  }
0x27a: {  	p0 =	por $0x0, $0x0;
	v14 =	vadd.s32 $0x800, v11;
	v13 =	vadd.s32 $0xC00, v11;
	v8 =	vmov s7;
	s7 =	sadd.s32 $0xFFFFFFFF, s5  }
0x27b: {  	_ =	sdelay $0x3  }
0x27c: {  	v16 =	vld.idx.msk [tilespmem:v11+s28+$0x0], $0xffff  }
0x27d: {  	v15 =	vld.idx.msk [tilespmem:v15+s28+$0x0], $0xffff  }
0x27e: {  	v14 =	vld.idx.msk [tilespmem:v14+s28+$0x0], $0xffff;
	_ =	sdelay $0x1  }
0x27f: {  	v13 =	vld.idx.msk [tilespmem:v13+s28+$0x0], $0xffff;
	_ =	sdelay $0x1  }
0x280: {  	v16 =	vsub.s32 v9, v16;
	v15 =	vsub.s32 v10, v15  }
0x281: {  	v14 =	vsub.s32 v8, v14;
	v17 =	vsub.s32 $0x0, v16;
	v18 =	vsub.s32 $0x0, v15  }
0x282: {  	v16 =	vmin.u32 v16, v17;
	v15 =	vmin.u32 v15, v18;
	v17 =	vsub.s32 $0x0, v14  }
0x283: {  	vm2 =	vle.s32 v16, v13;
	vm3 =	vle.s32 v15, v13;
	v14 =	vmin.u32 v14, v17  }
0x284: {  	vm2 =	vmand vm2, vm3;
	vm3 =	vle.s32 v14, v13  }
0x285: {  	vm2 =	vmand vm2, vm3  }
0x286: {  	vm1 =	vmand vm1, vm2  }
0x287: {  	v13 =	vsel vm1, $0x1, v5  }
0x288: {  	(xrf0) =	vadd.scan.msk.s32 $0xffff, v13;
	_ =	sdelay $0x5  }
0x289: {  	v14, _, _ =	vpop (xrf0)  }
0x28a: {  	(v2sf) =	vpush v14, $0xF;
	v13 =	vsub.s32 v14, v13  }
0x28b: {  	v13 =	vadd.s32 s1, v13;
	_ =	sdelay $0x4  }
0x28c: {  	[tilespmem:v13+s29+$0x0] =	vst.idx.msk vm1, v11  }
0x28d: {  	s5 =	sadd.s32 $0x10, s4;
	[tilespmem:v13+s30+$0x0] =	vst.idx.msk vm1, v7  }
0x28e: {  	v11 =	vld [tilespmem:s5+$0x0];
	_ =	sdelay $0x1  }
0x28f: {  	s6 =	simm.s32 $0x10  }
0x290: {  	v13 =	vor.u32 s6, v4  }
0x291: {  	p1 =	sne.s32 s7, $0x1;
	vm1 =	vlt.s32 v13, v12  }
.Ltmp31:
0x292: {  	v11 =	vnsel vm1, $0x0, v11;
	(pc) =	sbr.rel @!p1 .LBB2_27-.Ltmp31, $4  }
0x293: {  	v15 =	vadd.s32 $0x400, v11  }
0x294: {  	v14 =	vadd.s32 $0x800, v11;
	s17 =	spop (v2sf)  }
0x295: {  	s4 =	sadd.s32 s1, s17  }
0x296: {  	s7 =	sadd.s32 $0xFFFFFFFF, s7;
	p0 =	por $0x1, $0x1;
	v13 =	vadd.s32 $0xC00, v11;
	p2 =	slt.s32 s4, $0x140  }
.LBB2_26:
0x297: {  	p1 =	sne.s32 s7, $0x1;
	s7 =	sadd.s32 $0xFFFFFFFF, s7;
	v16 =	vld.idx.msk [tilespmem:v11+s28+$0x0], $0xffff;
	s4 =	simm.s32 @!p2 $0x140  }
0x298: {  	v15 =	vld.idx.msk [tilespmem:v15+s28+$0x0], $0xffff  }
0x299: {  	v14 =	vld.idx.msk [tilespmem:v14+s28+$0x0], $0xffff;
	_ =	sdelay $0x1  }
0x29a: {  	v13 =	vld.idx.msk [tilespmem:v13+s28+$0x0], $0xffff;
	_ =	sdelay $0x1  }
0x29b: {  	v16 =	vsub.s32 v9, v16  }
0x29c: {  	v17 =	vsub.s32 $0x0, v16;
	v15 =	vsub.s32 v10, v15  }
0x29d: {  	v16 =	vmin.u32 v16, v17;
	v17 =	vsub.s32 $0x0, v15;
	v14 =	vsub.s32 v8, v14  }
0x29e: {  	v15 =	vmin.u32 v15, v17;
	v17 =	vsub.s32 $0x0, v14  }
0x29f: {  	vm2 =	vle.s32 v16, v13;
	vm3 =	vle.s32 v15, v13;
	v14 =	vmin.u32 v14, v17  }
0x2a0: {  	vm2 =	vmand vm2, vm3;
	vm3 =	vle.s32 v14, v13  }
0x2a1: {  	vm2 =	vmand vm2, vm3  }
0x2a2: {  	vm1 =	vmand vm1, vm2  }
0x2a3: {  	v13 =	vsel vm1, $0x1, v5  }
0x2a4: {  	(xrf0) =	vadd.scan.msk.s32 $0xffff, v13;
	_ =	sdelay $0x5  }
0x2a5: {  	v14, _, _ =	vpop (xrf0)  }
0x2a6: {  	v13 =	vsub.s32 v14, v13;
	(v2sf) =	vpush v14, $0xF  }
0x2a7: {  	v13 =	vadd.s32 s4, v13;
	_ =	sdelay $0x4  }
0x2a8: {  	[tilespmem:v13+s29+$0x0] =	vst.idx.msk vm1, v11  }
0x2a9: {  	s5 =	sadd.s32 $0x10, s5;
	[tilespmem:v13+s30+$0x0] =	vst.idx.msk vm1, v7  }
0x2aa: {  	v11 =	vld [tilespmem:s5+$0x0];
	_ =	sdelay $0x1  }
0x2ab: {  	s6 =	sadd.s32 $0x10, s6  }
0x2ac: {  	v13 =	vor.u32 s6, v4  }
0x2ad: {  	vm1 =	vlt.s32 v13, v12  }
.Ltmp32:
0x2ae: {  	v11 =	vnsel vm1, $0x0, v11;
	(pc) =	sbr.rel @p1 .LBB2_26-.Ltmp32, $4  }
0x2af: {  	v15 =	vadd.s32 $0x400, v11;
	v14 =	vadd.s32 $0x800, v11;
	v13 =	vadd.s32 $0xC00, v11  }
0x2b0: {  	s8 =	spop (v2sf)  }
0x2b1: {  	s4 =	sadd.s32 s4, s8  }
0x2b2: {  	p2 =	slt.s32 s4, $0x140  }
.Ltmp33:
0x2b3: {  	_ = 	snop;
	(pc) =	sbr.rel .LBB2_27-.Ltmp33, $1  }
0x2b4: {  	_ =	sdelay $0x3  }
.LBB2_38:
.Ltmp34:
0x2b5: {  	(pc) =	sbr.rel .LBB2_42-.Ltmp34, $2  }
0x2b6: {  	_ =	sdelay $0x2  }
0x2b7: {  	s3 =	simm.s32 $0x13780  }
.LBB2_40:
.Ltmp35:
0x2b8: {  	(pc) =	sbr.rel .LBB2_42-.Ltmp35, $2  }
0x2b9: {  	_ =	sdelay $0x2  }
0x2ba: {  	s3 =	simm.s32 $0x13780  }
.LBB2_46:
0x2bb: {  	_ =	sfence.sel $0x180000  }
0x2bc: {  	[bflag:$0x0] =	sbarrier.arrive $0xFFFF  }
0x2bd: {  	_ =	strace $0x90000047  }
0x2be: {  	s0 =	stileid.u32;
	[bflag:$0x2] =	sbarrier.arrive $0xFFFF  }
0x2bf: {  	p0 =	sne.s32 s0, $0x0;
	s0 =	rddreg [dreg:$0x2]  }
0x2c0: {  	s0 =	sadd.s32 @!p0 $0x100000, s0  }
0x2c1: {  	[sflag:s0] =	ssyncadd.tile.s32 @!p0 $0x1;
	_ =	shalt  }
.Lfunc_end2:
_tile_overlayer_lowered:
.L_overlay_start_2:
0x2c2: {  	(tag) =	ssettag $0x2  }
0x2c3: {  	s0 =	rddreg [dreg:$0x0];
	s2 =	stileid.u32  }
0x2c4: {  	s1 =	rddreg [dreg:$0x1];
	p0 =	sne.s32 s2, $0x0  }
0x2c5: {  	s3 =	rddreg [dreg:$0x2];
	[bflag:$0x3] =	sbarrier.arrive $0xFFFF;
	s2 =	simm.s32 @!p0 $0x1C02  }
0x2c6: {  	[timem:s3], [sflag:s2] =	dma.local @!p0 [hbm:s0], s1  }
0x2c7: {  	s0 =	simm.s32 @!p0 $0x2  }
0x2c8: {  	_ =	swait.ge @!p0 [sflag:s0], s1  }
0x2c9: {  	s1 =	ssub.s32 @!p0 $0x0, s1;
	[sflag:s0] =	ssyncset.done @!p0 $0x0  }
0x2ca: {  	[sflag:s0] =	ssyncadd.s32 @!p0 s1  }
0x2cb: {  	[bflag:$0x3] =	sbarrier.arrive $0xFFFF  }
0x2cc: {  	_ =	shalt  }

</sc_bundles>
